<compile_context>
chip_gen: v7x
topology: tpu7x:2x2x1
jax: 0.10.2.dev20260603
libtpu: 0.0.44.dev20260713+nightly
codegen_flags: <defaults>
</compile_context>

<pallas_src>
import functools

import jax
import jax.numpy as jnp
from jax import lax
from jax.experimental import pallas as pl
from jax.experimental.pallas import tpu as pltpu
from jax.experimental.pallas import tpu_sc as plsc

N_USERS = 100000
N_ITEMS = 100000
D = 128
H = 128
N_SUB = 10000
N_EDGES = 320000

NC = 2
NS = 16
NW = NC * NS

R = 10240
RB = R // 128

A_CHUNK = 80
C_CHUNK = 80
C_STEPS = N_EDGES // NW // C_CHUNK

_mesh = plsc.VectorSubcoreMesh(
    core_axis_name="c", subcore_axis_name="s", num_cores=NC, num_subcores=NS
)


def _gather_body(idxc_hbm, idxi_hbm, cemb_hbm, iemb_hbm, xc_hbm, xi_hbm,
                 idxc_v, idxi_v, rowsc_v, rowsi_v, sem):
    cid = lax.axis_index("c")
    sid = lax.axis_index("s")
    wid = cid * NS + sid
    base = wid * (R // NW)

    @pl.loop(0, (R // NW) // A_CHUNK)
    def _(j):
        off = base + j * A_CHUNK
        pltpu.sync_copy(idxc_hbm.at[pl.ds(off, A_CHUNK)], idxc_v)
        pltpu.sync_copy(idxi_hbm.at[pl.ds(off, A_CHUNK)], idxi_v)
        pltpu.async_copy(cemb_hbm.at[idxc_v], rowsc_v, sem).wait()
        pltpu.async_copy(iemb_hbm.at[idxi_v], rowsi_v, sem).wait()
        pltpu.sync_copy(rowsc_v, xc_hbm.at[pl.ds(off, A_CHUNK)])
        pltpu.sync_copy(rowsi_v, xi_hbm.at[pl.ds(off, A_CHUNK)])


_gather_call = functools.partial(
    pl.kernel,
    out_type=[
        jax.ShapeDtypeStruct((R, D), jnp.float32),
        jax.ShapeDtypeStruct((R, D), jnp.float32),
    ],
    mesh=_mesh,
    scratch_types=[
        pltpu.VMEM((A_CHUNK,), jnp.int32),
        pltpu.VMEM((A_CHUNK,), jnp.int32),
        pltpu.VMEM((A_CHUNK, D), jnp.float32),
        pltpu.VMEM((A_CHUNK, D), jnp.float32),
        pltpu.SemaphoreType.DMA,
    ],
)


def _zero_2d(ref):
    rows, cols = ref.shape

    @pl.loop(0, rows)
    def _(r):
        @pl.loop(0, cols, step=16)
        def _(cc):
            ref.at[r, pl.ds(cc, 16)][...] = jnp.zeros((16,), jnp.float32)


def _agg_body(src_hbm, dst_hbm, xn_hbm, acc_hbm, deg_hbm,
              sidx_v, didx_v, rows_v, dloc_v, lin_v, acc_sh, dacc_sh, sem):
    cid = lax.axis_index("c")
    sid = lax.axis_index("s")
    wid = cid * NS + sid
    rows_per_tile = R // NS

    _zero_2d(rows_v)
    _zero_2d(dloc_v)

    @pl.loop(0, RB, step=16)
    def _(k):
        lin_v.at[pl.ds(k, 16)][...] = lax.iota(jnp.int32, 16) + k

    @pl.loop(0, rows_per_tile // C_CHUNK)
    def _(k):
        pltpu.sync_copy(rows_v, acc_sh.at[pl.ds(sid * rows_per_tile
                                                + k * C_CHUNK, C_CHUNK)])
    @pl.when(sid < RB // 8)
    def _():
        pltpu.sync_copy(rows_v.at[pl.ds(0, 8)],
                        dacc_sh.at[pl.ds(sid * 8, 8)])

    plsc.subcore_barrier()

    base = wid * (N_EDGES // NW)

    @pl.loop(0, C_STEPS)
    def _(j):
        off = base + j * C_CHUNK
        pltpu.sync_copy(src_hbm.at[pl.ds(off, C_CHUNK)], sidx_v)
        pltpu.sync_copy(dst_hbm.at[pl.ds(off, C_CHUNK)], didx_v)
        pltpu.async_copy(xn_hbm.at[sidx_v], rows_v, sem).wait()
        pltpu.sync_copy(rows_v, acc_sh.at[didx_v], add=True)

        @pl.loop(0, C_CHUNK, step=16)
        def _(k):
            d16 = didx_v.at[pl.ds(k, 16)][...]
            plsc.addupdate_scatter(
                dloc_v,
                [lax.shift_right_logical(d16, 7),
                 lax.bitwise_and(d16, 127)],
                jnp.full((16,), 1.0, jnp.float32))

    pltpu.sync_copy(dloc_v, dacc_sh.at[lin_v], add=True)
    plsc.subcore_barrier()

    pltpu.sync_copy(acc_sh.at[pl.ds(sid * rows_per_tile, rows_per_tile)],
                    acc_hbm.at[cid, pl.ds(sid * rows_per_tile, rows_per_tile)])
    @pl.when(sid < RB // 8)
    def _():
        pltpu.sync_copy(dacc_sh.at[pl.ds(sid * 8, 8)],
                        deg_hbm.at[cid, pl.ds(sid * 8, 8)])


_agg_call = functools.partial(
    pl.kernel,
    out_type=[
        jax.ShapeDtypeStruct((NC, R, D), jnp.float32),
        jax.ShapeDtypeStruct((NC, RB, 128), jnp.float32),
    ],
    mesh=_mesh,
    scratch_types=[
        pltpu.VMEM((C_CHUNK,), jnp.int32),
        pltpu.VMEM((C_CHUNK,), jnp.int32),
        pltpu.VMEM((C_CHUNK, D), jnp.float32),
        pltpu.VMEM((RB, 128), jnp.float32),
        pltpu.VMEM((RB,), jnp.int32),
        pltpu.VMEM_SHARED((R, D), jnp.float32),
        pltpu.VMEM_SHARED((RB, 128), jnp.float32),
        pltpu.SemaphoreType.DMA,
    ],
    compiler_params=pltpu.CompilerParams(needs_layout_passes=False),
)


def _matmul_body(ids_ref, xc_ref, xi_ref, ws_ref, wn_ref, xs_ref, xn_ref):
    x = jnp.where(ids_ref[...] < N_USERS, xc_ref[...], xi_ref[...])
    xs_ref[...] = jnp.dot(x, ws_ref[...], preferred_element_type=jnp.float32)
    xn_ref[...] = jnp.dot(x, wn_ref[...], preferred_element_type=jnp.float32)


def _combine_body(xs_ref, acc_ref, deg_ref, b_ref, h_ref):
    agg = acc_ref[0] + acc_ref[1]
    deg = deg_ref[...]
    h_ref[...] = jnp.maximum(
        xs_ref[...] + agg / jnp.maximum(deg, 1.0) + b_ref[...], 0.0)


def kernel(node_ids, edge_index, client_emb, item_emb, W_self, W_neigh, b):
    ids_pad = jnp.zeros((R,), jnp.int32).at[:N_SUB].set(
        node_ids.astype(jnp.int32))
    is_client = ids_pad < N_USERS
    idx_c = jnp.where(is_client, ids_pad, 0)
    idx_i = jnp.where(is_client, 0, ids_pad - N_USERS)
    src = edge_index[0].astype(jnp.int32)
    dst = edge_index[1].astype(jnp.int32)

    xc, xi = _gather_call(_gather_body)(idx_c, idx_i, client_emb, item_emb)

    blk = 1280
    xs, xn = pl.pallas_call(
        _matmul_body,
        grid=(R // blk,),
        in_specs=[
            pl.BlockSpec((blk, 1), lambda i: (i, 0)),
            pl.BlockSpec((blk, D), lambda i: (i, 0)),
            pl.BlockSpec((blk, D), lambda i: (i, 0)),
            pl.BlockSpec((D, H), lambda i: (0, 0)),
            pl.BlockSpec((D, H), lambda i: (0, 0)),
        ],
        out_specs=[
            pl.BlockSpec((blk, H), lambda i: (i, 0)),
            pl.BlockSpec((blk, H), lambda i: (i, 0)),
        ],
        out_shape=[
            jax.ShapeDtypeStruct((R, H), jnp.float32),
            jax.ShapeDtypeStruct((R, H), jnp.float32),
        ],
    )(ids_pad[:, None], xc, xi, W_self, W_neigh)

    accs, degs = _agg_call(_agg_body)(src, dst, xn)

    deg_col = (degs[0] + degs[1]).reshape(R)[:, None]

    cblk = 1000
    h = pl.pallas_call(
        _combine_body,
        grid=(N_SUB // cblk,),
        in_specs=[
            pl.BlockSpec((cblk, H), lambda i: (i, 0)),
            pl.BlockSpec((NC, cblk, H), lambda i: (0, i, 0)),
            pl.BlockSpec((cblk, 1), lambda i: (i, 0)),
            pl.BlockSpec((1, H), lambda i: (0, 0)),
        ],
        out_specs=pl.BlockSpec((cblk, H), lambda i: (i, 0)),
        out_shape=jax.ShapeDtypeStruct((N_SUB, H), jnp.float32),
    )(xs, accs, deg_col, b[None, :])
    return h

# --- scband reference (transcript-rebuilt; emitter-appended) ---
"""Pipeline reference for scband-gnn-link-predictor-70420283785920 (READ-ONLY COPY).

The authoritative reference and input builder live on the scoring server;
editing this copy changes nothing except your own understanding.
"""

import jax, jax.numpy as jnp
import numpy as np

N_USERS = 100000
N_ITEMS = 100000
D = 128      # embedding_dim (in_feats)
H = 128      # output_size (h_feats)
N_SUB = 10000
N_EDGES = 320000


def setup_inputs(seed: int = 0) -> dict:
    key = jax.random.key(seed)
    ks = jax.random.split(key, 7)
    node_ids = jax.random.randint(ks[0], (N_SUB,), 0, N_USERS + N_ITEMS)
    edge_index = jax.random.randint(ks[1], (2, N_EDGES), 0, N_SUB)
    client_emb = jax.random.normal(ks[2], (N_USERS, D), dtype=jnp.float32) * 0.02
    item_emb = jax.random.normal(ks[3], (N_ITEMS, D), dtype=jnp.float32) * 0.02
    W_self = jax.random.normal(ks[4], (D, H), dtype=jnp.float32) * (1.0 / np.sqrt(D))
    W_neigh = jax.random.normal(ks[5], (D, H), dtype=jnp.float32) * (1.0 / np.sqrt(D))
    b = jnp.zeros((H,), dtype=jnp.float32)
    return {
        "node_ids": node_ids,
        "edge_index": edge_index,
        "client_emb": client_emb,
        "item_emb": item_emb,
        "W_self": W_self,
        "W_neigh": W_neigh,
        "b": b,
    }


def reference(node_ids, edge_index, client_emb, item_emb, W_self, W_neigh, b):
    # node_feats = torch.cat([client_feats.weight, item_feats.weight])
    node_feats = jnp.concatenate([client_emb, item_emb], axis=0)
    # gather subgraph node features: node_feats[subgraph.ndata['_ID']]
    x = jnp.take(node_feats, node_ids, axis=0)
    # GraphSAGE (mean aggregator) layer over the subgraph
    src = edge_index[0]
    dst = edge_index[1]
    msgs = jnp.take(x, src, axis=0)
    agg = jax.ops.segment_sum(msgs, dst, num_segments=N_SUB)
    deg = jax.ops.segment_sum(jnp.ones((N_EDGES,), dtype=jnp.float32), dst, num_segments=N_SUB)
    agg = agg / jnp.maximum(deg, 1.0)[:, None]
    h = x @ W_self + agg @ W_neigh + b
    subgraph_node_embeddings = jax.nn.relu(h)
    return subgraph_node_embeddings

if __name__ == "__main__":
    import jax
    _d = setup_inputs()
    print(jax.jit(kernel)(*tuple(_d.values())))

</pallas_src>

<mosaic_0001>
#map = affine_map<(d0, d1) -> (0)>
#map1 = affine_map<(d0, d1) -> (0, 0)>
#map2 = affine_map<(d0, d1) -> (0, 0, 0)>
module attributes {stable_mosaic.version = 14 : i64} {
  func.func @_agg_body(%arg0: i32, %arg1: i32, %arg2: memref<320000xi32, #tpu.memory_space<hbm>>, %arg3: memref<320000xi32, #tpu.memory_space<hbm>>, %arg4: memref<10240x128xf32, #tpu.memory_space<hbm>>, %arg5: memref<2x10240x128xf32, #tpu.memory_space<hbm>>, %arg6: memref<2x80x128xf32, #tpu.memory_space<hbm>>, %arg7: memref<80xi32, #tpu.memory_space<vmem>>, %arg8: memref<80xi32, #tpu.memory_space<vmem>>, %arg9: memref<80x128xf32, #tpu.memory_space<vmem>>, %arg10: memref<80x128xf32, #tpu.memory_space<vmem>>, %arg11: memref<80xi32, #tpu.memory_space<vmem>>, %arg12: memref<10240x128xf32, #tpu.memory_space<vmem_shared>>, %arg13: memref<80x128xf32, #tpu.memory_space<vmem_shared>>, %arg14: memref<!tpu.dma_semaphore, #tpu.memory_space<semaphore_mem>>) attributes {dimension_semantics = [#tpu.dimension_semantics<core_parallel>, #tpu.dimension_semantics<subcore_parallel>], iteration_bounds = array<i64: 2, 16>, scalar_prefetch = 0 : i64, scratch_operands = 8 : i64, tpu.core_type = #tpu.core_type<sc_vector_subcore>, window_params = [{transform_indices = #map}, {transform_indices = #map}, {transform_indices = #map1}, {transform_indices = #map2}, {transform_indices = #map2}]} {
    %mul3A = arith.constant 16 : i32
    %mul3A_0 = arith.muli %arg0, %mul3A : i32
    %add3A = arith.addi %mul3A_0, %arg1 : i32
    %scan3A = arith.constant 0 : i32
    %scan3A_1 = arith.constant 80 : i32
    %scan3A_2 = arith.addi %scan3A, %scan3A_1 : i32
    %scan3A_3 = arith.constant 1 : i32
    scf.for %scan3A_39 = %scan3A to %scan3A_2 step %scan3A_3  : i32 {
      %mul3A_40 = arith.constant 1 : i32
      %mul3A_41 = arith.muli %scan3A_39, %mul3A_40 : i32
      %add3A_42 = arith.constant 0 : i32
      %add3A_43 = arith.addi %add3A_42, %mul3A_41 : i32
      %scan3A_44 = arith.constant 0 : i32
      %scan3A_45 = arith.constant 8 : i32
      %scan3A_46 = arith.addi %scan3A_44, %scan3A_45 : i32
      %scan3A_47 = arith.constant 1 : i32
      scf.for %scan3A_49 = %scan3A_44 to %scan3A_46 step %scan3A_47  : i32 {
        %mul3A_50 = arith.constant 16 : i32
        %mul3A_51 = arith.muli %scan3A_49, %mul3A_50 : i32
        %add3A_52 = arith.constant 0 : i32
        %add3A_53 = arith.addi %add3A_52, %mul3A_51 : i32
        %broadcast_in_dim3A = arith.constant 0.000000e+00 : f32
        %broadcast_in_dim3A_54 = vector.broadcast %broadcast_in_dim3A : f32 to vector<16xf32>
        %swap3A = arith.index_cast %add3A_43 : i32 to index
        %swap3A_55 = arith.index_cast %add3A_53 : i32 to index
        %swap3A_56 = tpu.vector_load %arg9[%swap3A, %swap3A_55] {strides = array<i32>} : memref<80x128xf32, #tpu.memory_space<vmem>>, vector<16xf32>,
        tpu.vector_store %arg9[%swap3A, %swap3A_55], %broadcast_in_dim3A_54 {strides = array<i32>} : memref<80x128xf32, #tpu.memory_space<vmem>>, vector<16xf32>,
      }
      %scan3A_48 = arith.constant 8 : i32
    }
    %scan3A_4 = arith.constant 80 : i32
    %scan3A_5 = arith.constant 0 : i32
    %scan3A_6 = arith.constant 80 : i32
    %scan3A_7 = arith.addi %scan3A_5, %scan3A_6 : i32
    %scan3A_8 = arith.constant 1 : i32
    scf.for %scan3A_39 = %scan3A_5 to %scan3A_7 step %scan3A_8  : i32 {
      %mul3A_40 = arith.constant 1 : i32
      %mul3A_41 = arith.muli %scan3A_39, %mul3A_40 : i32
      %add3A_42 = arith.constant 0 : i32
      %add3A_43 = arith.addi %add3A_42, %mul3A_41 : i32
      %scan3A_44 = arith.constant 0 : i32
      %scan3A_45 = arith.constant 8 : i32
      %scan3A_46 = arith.addi %scan3A_44, %scan3A_45 : i32
      %scan3A_47 = arith.constant 1 : i32
      scf.for %scan3A_49 = %scan3A_44 to %scan3A_46 step %scan3A_47  : i32 {
        %mul3A_50 = arith.constant 16 : i32
        %mul3A_51 = arith.muli %scan3A_49, %mul3A_50 : i32
        %add3A_52 = arith.constant 0 : i32
        %add3A_53 = arith.addi %add3A_52, %mul3A_51 : i32
        %broadcast_in_dim3A = arith.constant 0.000000e+00 : f32
        %broadcast_in_dim3A_54 = vector.broadcast %broadcast_in_dim3A : f32 to vector<16xf32>
        %swap3A = arith.index_cast %add3A_43 : i32 to index
        %swap3A_55 = arith.index_cast %add3A_53 : i32 to index
        %swap3A_56 = tpu.vector_load %arg10[%swap3A, %swap3A_55] {strides = array<i32>} : memref<80x128xf32, #tpu.memory_space<vmem>>, vector<16xf32>,
        tpu.vector_store %arg10[%swap3A, %swap3A_55], %broadcast_in_dim3A_54 {strides = array<i32>} : memref<80x128xf32, #tpu.memory_space<vmem>>, vector<16xf32>,
      }
      %scan3A_48 = arith.constant 8 : i32
    }
    %scan3A_9 = arith.constant 80 : i32
    %scan3A_10 = arith.constant 0 : i32
    %scan3A_11 = arith.constant 5 : i32
    %scan3A_12 = arith.addi %scan3A_10, %scan3A_11 : i32
    %scan3A_13 = arith.constant 1 : i32
    scf.for %scan3A_39 = %scan3A_10 to %scan3A_12 step %scan3A_13  : i32 {
      %mul3A_40 = arith.constant 16 : i32
      %mul3A_41 = arith.muli %scan3A_39, %mul3A_40 : i32
      %add3A_42 = arith.constant 0 : i32
      %add3A_43 = arith.addi %add3A_42, %mul3A_41 : i32
      %iota3A = tpu.iota {dimensions = array<i32: 0>} : vector<16xi32>
      %add3A_44 = vector.broadcast %add3A_43 : i32 to vector<16xi32>
      %add3A_45 = arith.addi %iota3A, %add3A_44 : vector<16xi32>
      %swap3A = arith.index_cast %add3A_43 : i32 to index
      %swap3A_46 = tpu.vector_load %arg11[%swap3A] {strides = array<i32>} : memref<80xi32, #tpu.memory_space<vmem>>, vector<16xi32>,
      tpu.vector_store %arg11[%swap3A], %add3A_45 {strides = array<i32>} : memref<80xi32, #tpu.memory_space<vmem>>, vector<16xi32>,
    }
    %scan3A_14 = arith.constant 5 : i32
    %scan3A_15 = arith.constant 0 : i32
    %scan3A_16 = arith.constant 8 : i32
    %scan3A_17 = arith.addi %scan3A_15, %scan3A_16 : i32
    %scan3A_18 = arith.constant 1 : i32
    scf.for %scan3A_39 = %scan3A_15 to %scan3A_17 step %scan3A_18  : i32 {
      %mul3A_40 = arith.constant 1 : i32
      %mul3A_41 = arith.muli %scan3A_39, %mul3A_40 : i32
      %add3A_42 = arith.constant 0 : i32
      %add3A_43 = arith.addi %add3A_42, %mul3A_41 : i32
      %mul3A_44 = arith.constant 640 : i32
      %mul3A_45 = arith.muli %arg1, %mul3A_44 : i32
      %mul3A_46 = arith.constant 80 : i32
      %mul3A_47 = arith.muli %add3A_43, %mul3A_46 : i32
      %add3A_48 = arith.addi %mul3A_45, %mul3A_47 : i32
      "tpu.region"() ({
        %run_scoped3A = tpu.sem_alloc : memref<!tpu.dma_semaphore, #tpu.memory_space<semaphore_mem>>
        %dma_start3A = arith.constant 0 : i32
        %dma_start3A_49 = tpu.memref_slice %arg12[%add3A_48, %dma_start3A] : memref<10240x128xf32, #tpu.memory_space<vmem_shared>> -> memref<80x128xf32, #tpu.memory_space<vmem_shared>>
        %dma_start3A_50 = arith.constant 0 : i32
        %dma_start3A_51 = tpu.memref_slice %arg12[%add3A_48, %dma_start3A_50] : memref<10240x128xf32, #tpu.memory_space<vmem_shared>> -> memref<80x128xf32, #tpu.memory_space<vmem_shared>>
        tpu.enqueue_dma source(%arg9 : memref<80x128xf32, #tpu.memory_space<vmem>>) target(%dma_start3A_51 : memref<80x128xf32, #tpu.memory_space<vmem_shared>>) target_semaphore(%run_scoped3A : memref<!tpu.dma_semaphore, #tpu.memory_space<semaphore_mem>>)
        %dma_wait3A = arith.constant 0 : i32
        %dma_wait3A_52 = tpu.memref_slice %arg12[%add3A_48, %dma_wait3A] : memref<10240x128xf32, #tpu.memory_space<vmem_shared>> -> memref<80x128xf32, #tpu.memory_space<vmem_shared>>
        %dma_wait3A_53 = arith.constant 0 : i32
        %dma_wait3A_54 = tpu.memref_slice %arg12[%add3A_48, %dma_wait3A_53] : memref<10240x128xf32, #tpu.memory_space<vmem_shared>> -> memref<80x128xf32, #tpu.memory_space<vmem_shared>>
        tpu.wait_dma2 semaphore(%run_scoped3A : memref<!tpu.dma_semaphore, #tpu.memory_space<semaphore_mem>>) src(%arg9 : memref<80x128xf32, #tpu.memory_space<vmem>>) dst(%dma_wait3A_54 : memref<80x128xf32, #tpu.memory_space<vmem_shared>>)
        tpu.yield
      }) : () -> ()
    }
    %scan3A_19 = arith.constant 8 : i32
    %lt3A = arith.constant 10 : i32
    %lt3A_20 = arith.cmpi slt, %arg1, %lt3A : i32
    %convert_element_type3A = arith.extui %lt3A_20 : i1 to i32
    %cond3A = arith.constant 0 : i32
    %cond3A_21 = arith.cmpi ne, %convert_element_type3A, %cond3A : i32
    scf.if %cond3A_21 {
      %mul3A_39 = arith.constant 8 : i32
      %mul3A_40 = arith.muli %arg1, %mul3A_39 : i32
      "tpu.region"() ({
        %run_scoped3A = tpu.sem_alloc : memref<!tpu.dma_semaphore, #tpu.memory_space<semaphore_mem>>
        %dma_start3A = arith.constant 0 : i32
        %dma_start3A_41 = arith.constant 0 : i32
        %dma_start3A_42 = tpu.memref_slice %arg9[%dma_start3A, %dma_start3A_41] : memref<80x128xf32, #tpu.memory_space<vmem>> -> memref<8x128xf32, #tpu.memory_space<vmem>>
        %dma_start3A_43 = arith.constant 0 : i32
        %dma_start3A_44 = tpu.memref_slice %arg13[%mul3A_40, %dma_start3A_43] : memref<80x128xf32, #tpu.memory_space<vmem_shared>> -> memref<8x128xf32, #tpu.memory_space<vmem_shared>>
        %dma_start3A_45 = arith.constant 0 : i32
        %dma_start3A_46 = tpu.memref_slice %arg13[%mul3A_40, %dma_start3A_45] : memref<80x128xf32, #tpu.memory_space<vmem_shared>> -> memref<8x128xf32, #tpu.memory_space<vmem_shared>>
        %dma_start3A_47 = arith.constant 0 : i32
        %dma_start3A_48 = arith.constant 0 : i32
        %dma_start3A_49 = tpu.memref_slice %arg9[%dma_start3A_47, %dma_start3A_48] : memref<80x128xf32, #tpu.memory_space<vmem>> -> memref<8x128xf32, #tpu.memory_space<vmem>>
        tpu.enqueue_dma source(%dma_start3A_49 : memref<8x128xf32, #tpu.memory_space<vmem>>) target(%dma_start3A_46 : memref<8x128xf32, #tpu.memory_space<vmem_shared>>) target_semaphore(%run_scoped3A : memref<!tpu.dma_semaphore, #tpu.memory_space<semaphore_mem>>)
        %dma_wait3A = arith.constant 0 : i32
        %dma_wait3A_50 = arith.constant 0 : i32
        %dma_wait3A_51 = tpu.memref_slice %arg9[%dma_wait3A, %dma_wait3A_50] : memref<80x128xf32, #tpu.memory_space<vmem>> -> memref<8x128xf32, #tpu.memory_space<vmem>>
        %dma_wait3A_52 = arith.constant 0 : i32
        %dma_wait3A_53 = tpu.memref_slice %arg13[%mul3A_40, %dma_wait3A_52] : memref<80x128xf32, #tpu.memory_space<vmem_shared>> -> memref<8x128xf32, #tpu.memory_space<vmem_shared>>
        %dma_wait3A_54 = arith.constant 0 : i32
        %dma_wait3A_55 = tpu.memref_slice %arg13[%mul3A_40, %dma_wait3A_54] : memref<80x128xf32, #tpu.memory_space<vmem_shared>> -> memref<8x128xf32, #tpu.memory_space<vmem_shared>>
        %dma_wait3A_56 = arith.constant 0 : i32
        %dma_wait3A_57 = arith.constant 0 : i32
        %dma_wait3A_58 = tpu.memref_slice %arg9[%dma_wait3A_56, %dma_wait3A_57] : memref<80x128xf32, #tpu.memory_space<vmem>> -> memref<8x128xf32, #tpu.memory_space<vmem>>
        tpu.wait_dma2 semaphore(%run_scoped3A : memref<!tpu.dma_semaphore, #tpu.memory_space<semaphore_mem>>) src(%dma_wait3A_58 : memref<8x128xf32, #tpu.memory_space<vmem>>) dst(%dma_wait3A_55 : memref<8x128xf32, #tpu.memory_space<vmem_shared>>)
        tpu.yield
      }) : () -> ()
    } else {
    }
    %barrier3A = arith.constant 0 : index
    tpu.barrier barrier_id(%barrier3A)
    %mul3A_22 = arith.constant 10000 : i32
    %mul3A_23 = arith.muli %add3A, %mul3A_22 : i32
    %scan3A_24 = arith.constant 0 : i32
    %scan3A_25 = arith.constant 125 : i32
    %scan3A_26 = arith.addi %scan3A_24, %scan3A_25 : i32
    %scan3A_27 = arith.constant 1 : i32
    scf.for %scan3A_39 = %scan3A_24 to %scan3A_26 step %scan3A_27  : i32 {
      %mul3A_40 = arith.constant 1 : i32
      %mul3A_41 = arith.muli %scan3A_39, %mul3A_40 : i32
      %add3A_42 = arith.constant 0 : i32
      %add3A_43 = arith.addi %add3A_42, %mul3A_41 : i32
      %mul3A_44 = arith.constant 80 : i32
      %mul3A_45 = arith.muli %add3A_43, %mul3A_44 : i32
      %add3A_46 = arith.addi %mul3A_23, %mul3A_45 : i32
      "tpu.region"() ({
        %run_scoped3A = tpu.sem_alloc : memref<!tpu.dma_semaphore, #tpu.memory_space<semaphore_mem>>
        %dma_start3A_56 = tpu.memref_slice %arg2[%add3A_46] : memref<320000xi32, #tpu.memory_space<hbm>> -> memref<80xi32, #tpu.memory_space<hbm>>
        %dma_start3A_57 = tpu.memref_slice %arg2[%add3A_46] : memref<320000xi32, #tpu.memory_space<hbm>> -> memref<80xi32, #tpu.memory_space<hbm>>
        tpu.enqueue_dma source(%dma_start3A_57 : memref<80xi32, #tpu.memory_space<hbm>>) target(%arg7 : memref<80xi32, #tpu.memory_space<vmem>>) target_semaphore(%run_scoped3A : memref<!tpu.dma_semaphore, #tpu.memory_space<semaphore_mem>>)
        %dma_wait3A_58 = tpu.memref_slice %arg2[%add3A_46] : memref<320000xi32, #tpu.memory_space<hbm>> -> memref<80xi32, #tpu.memory_space<hbm>>
        %dma_wait3A_59 = tpu.memref_slice %arg2[%add3A_46] : memref<320000xi32, #tpu.memory_space<hbm>> -> memref<80xi32, #tpu.memory_space<hbm>>
        tpu.wait_dma2 semaphore(%run_scoped3A : memref<!tpu.dma_semaphore, #tpu.memory_space<semaphore_mem>>) src(%dma_wait3A_59 : memref<80xi32, #tpu.memory_space<hbm>>) dst(%arg7 : memref<80xi32, #tpu.memory_space<vmem>>)
        tpu.yield
      }) : () -> ()
      "tpu.region"() ({
        %run_scoped3A = tpu.sem_alloc : memref<!tpu.dma_semaphore, #tpu.memory_space<semaphore_mem>>
        %dma_start3A_56 = tpu.memref_slice %arg3[%add3A_46] : memref<320000xi32, #tpu.memory_space<hbm>> -> memref<80xi32, #tpu.memory_space<hbm>>
        %dma_start3A_57 = tpu.memref_slice %arg3[%add3A_46] : memref<320000xi32, #tpu.memory_space<hbm>> -> memref<80xi32, #tpu.memory_space<hbm>>
        tpu.enqueue_dma source(%dma_start3A_57 : memref<80xi32, #tpu.memory_space<hbm>>) target(%arg8 : memref<80xi32, #tpu.memory_space<vmem>>) target_semaphore(%run_scoped3A : memref<!tpu.dma_semaphore, #tpu.memory_space<semaphore_mem>>)
        %dma_wait3A_58 = tpu.memref_slice %arg3[%add3A_46] : memref<320000xi32, #tpu.memory_space<hbm>> -> memref<80xi32, #tpu.memory_space<hbm>>
        %dma_wait3A_59 = tpu.memref_slice %arg3[%add3A_46] : memref<320000xi32, #tpu.memory_space<hbm>> -> memref<80xi32, #tpu.memory_space<hbm>>
        tpu.wait_dma2 semaphore(%run_scoped3A : memref<!tpu.dma_semaphore, #tpu.memory_space<semaphore_mem>>) src(%dma_wait3A_59 : memref<80xi32, #tpu.memory_space<hbm>>) dst(%arg8 : memref<80xi32, #tpu.memory_space<vmem>>)
        tpu.yield
      }) : () -> ()
      %dma_start3A = arith.constant 0 : i32
      %dma_start3A_47 = arith.constant 0 : i32
      %dma_start3A_48 = tpu.memref_slice %arg4[%dma_start3A, %dma_start3A_47] : memref<10240x128xf32, #tpu.memory_space<hbm>> -> memref<10240x128xf32, #tpu.memory_space<hbm>>
      tpu.enqueue_indirect_dma source(%dma_start3A_48 : memref<10240x128xf32, #tpu.memory_space<hbm>>) target(%arg9 : memref<80x128xf32, #tpu.memory_space<vmem>>) offsets(%arg7 : memref<80xi32, #tpu.memory_space<vmem>>) semaphore(%arg14 : memref<!tpu.dma_semaphore, #tpu.memory_space<semaphore_mem>>)
      %dma_wait3A = arith.constant 0 : i32
      %dma_wait3A_49 = arith.constant 0 : i32
      %dma_wait3A_50 = tpu.memref_slice %arg4[%dma_wait3A, %dma_wait3A_49] : memref<10240x128xf32, #tpu.memory_space<hbm>> -> memref<10240x128xf32, #tpu.memory_space<hbm>>
      tpu.wait_indirect_dma semaphore(%arg14 : memref<!tpu.dma_semaphore, #tpu.memory_space<semaphore_mem>>) src(%dma_wait3A_50 : memref<10240x128xf32, #tpu.memory_space<hbm>>) dst(%arg9 : memref<80x128xf32, #tpu.memory_space<vmem>>)
      "tpu.region"() ({
        %run_scoped3A = tpu.sem_alloc : memref<!tpu.dma_semaphore, #tpu.memory_space<semaphore_mem>>
        %dma_start3A_56 = arith.constant 0 : i32
        %dma_start3A_57 = arith.constant 0 : i32
        %dma_start3A_58 = tpu.memref_slice %arg12[%dma_start3A_56, %dma_start3A_57] : memref<10240x128xf32, #tpu.memory_space<vmem_shared>> -> memref<10240x128xf32, #tpu.memory_space<vmem_shared>>
        tpu.enqueue_indirect_dma source(%arg9 : memref<80x128xf32, #tpu.memory_space<vmem>>) target(%dma_start3A_58 : memref<10240x128xf32, #tpu.memory_space<vmem_shared>>) offsets(%arg8 : memref<80xi32, #tpu.memory_space<vmem>>) semaphore(%run_scoped3A : memref<!tpu.dma_semaphore, #tpu.memory_space<semaphore_mem>>) {add = true}
        %dma_wait3A_59 = arith.constant 0 : i32
        %dma_wait3A_60 = arith.constant 0 : i32
        %dma_wait3A_61 = tpu.memref_slice %arg12[%dma_wait3A_59, %dma_wait3A_60] : memref<10240x128xf32, #tpu.memory_space<vmem_shared>> -> memref<10240x128xf32, #tpu.memory_space<vmem_shared>>
        tpu.wait_indirect_dma semaphore(%run_scoped3A : memref<!tpu.dma_semaphore, #tpu.memory_space<semaphore_mem>>) src(%arg9 : memref<80x128xf32, #tpu.memory_space<vmem>>) dst(%dma_wait3A_61 : memref<10240x128xf32, #tpu.memory_space<vmem_shared>>)
        tpu.yield
      }) : () -> ()
      %scan3A_51 = arith.constant 0 : i32
      %scan3A_52 = arith.constant 5 : i32
      %scan3A_53 = arith.addi %scan3A_51, %scan3A_52 : i32
      %scan3A_54 = arith.constant 1 : i32
      scf.for %scan3A_56 = %scan3A_51 to %scan3A_53 step %scan3A_54  : i32 {
        %mul3A_57 = arith.constant 16 : i32
        %mul3A_58 = arith.muli %scan3A_56, %mul3A_57 : i32
        %add3A_59 = arith.constant 0 : i32
        %add3A_60 = arith.addi %add3A_59, %mul3A_58 : i32
        %get3A = arith.index_cast %add3A_60 : i32 to index
        %get3A_61 = tpu.vector_load %arg8[%get3A] {strides = array<i32>} : memref<80xi32, #tpu.memory_space<vmem>>, vector<16xi32>,
        %shift_right_logical3A = arith.constant 7 : i32
        %shift_right_logical3A_62 = vector.broadcast %shift_right_logical3A : i32 to vector<16xi32>
        %shift_right_logical3A_63 = arith.shrui %get3A_61, %shift_right_logical3A_62 : vector<16xi32>
        %and3A = arith.constant 127 : i32
        %and3A_64 = vector.broadcast %and3A : i32 to vector<16xi32>
        %and3A_65 = arith.andi %get3A_61, %and3A_64 : vector<16xi32>
        %broadcast_in_dim3A = arith.constant 1.000000e+00 : f32
        %broadcast_in_dim3A_66 = vector.broadcast %broadcast_in_dim3A : f32 to vector<16xf32>
        tpu.vector_store_idx %arg10[%shift_right_logical3A_63, %and3A_65], %broadcast_in_dim3A_66 {add = true} : memref<80x128xf32, #tpu.memory_space<vmem>>[vector<16xi32>, vector<16xi32>], vector<16xf32>,
      }
      %scan3A_55 = arith.constant 5 : i32
    }
    %scan3A_28 = arith.constant 125 : i32
    "tpu.region"() ({
      %run_scoped3A = tpu.sem_alloc : memref<!tpu.dma_semaphore, #tpu.memory_space<semaphore_mem>>
      %dma_start3A = arith.constant 0 : i32
      %dma_start3A_39 = arith.constant 0 : i32
      %dma_start3A_40 = tpu.memref_slice %arg13[%dma_start3A, %dma_start3A_39] : memref<80x128xf32, #tpu.memory_space<vmem_shared>> -> memref<80x128xf32, #tpu.memory_space<vmem_shared>>
      tpu.enqueue_indirect_dma source(%arg10 : memref<80x128xf32, #tpu.memory_space<vmem>>) target(%dma_start3A_40 : memref<80x128xf32, #tpu.memory_space<vmem_shared>>) offsets(%arg11 : memref<80xi32, #tpu.memory_space<vmem>>) semaphore(%run_scoped3A : memref<!tpu.dma_semaphore, #tpu.memory_space<semaphore_mem>>) {add = true}
      %dma_wait3A = arith.constant 0 : i32
      %dma_wait3A_41 = arith.constant 0 : i32
      %dma_wait3A_42 = tpu.memref_slice %arg13[%dma_wait3A, %dma_wait3A_41] : memref<80x128xf32, #tpu.memory_space<vmem_shared>> -> memref<80x128xf32, #tpu.memory_space<vmem_shared>>
      tpu.wait_indirect_dma semaphore(%run_scoped3A : memref<!tpu.dma_semaphore, #tpu.memory_space<semaphore_mem>>) src(%arg10 : memref<80x128xf32, #tpu.memory_space<vmem>>) dst(%dma_wait3A_42 : memref<80x128xf32, #tpu.memory_space<vmem_shared>>)
      tpu.yield
    }) : () -> ()
    %barrier3A_29 = arith.constant 0 : index
    tpu.barrier barrier_id(%barrier3A_29)
    %mul3A_30 = arith.constant 640 : i32
    %mul3A_31 = arith.muli %arg1, %mul3A_30 : i32
    %mul3A_32 = arith.constant 640 : i32
    %mul3A_33 = arith.muli %arg1, %mul3A_32 : i32
    "tpu.region"() ({
      %run_scoped3A = tpu.sem_alloc : memref<!tpu.dma_semaphore, #tpu.memory_space<semaphore_mem>>
      %dma_start3A = arith.constant 0 : i32
      %dma_start3A_39 = tpu.memref_slice %arg5[%arg0, %mul3A_33, %dma_start3A] : memref<2x10240x128xf32, #tpu.memory_space<hbm>> -> memref<1x640x128xf32, #tpu.memory_space<hbm>>
      %dma_start3A_40 = tpu.memref_squeeze %dma_start3A_39 : memref<1x640x128xf32, #tpu.memory_space<hbm>> -> memref<640x128xf32, #tpu.memory_space<hbm>>
      %dma_start3A_41 = arith.constant 0 : i32
      %dma_start3A_42 = tpu.memref_slice %arg12[%mul3A_31, %dma_start3A_41] : memref<10240x128xf32, #tpu.memory_space<vmem_shared>> -> memref<640x128xf32, #tpu.memory_space<vmem_shared>>
      tpu.enqueue_dma source(%dma_start3A_42 : memref<640x128xf32, #tpu.memory_space<vmem_shared>>) target(%dma_start3A_40 : memref<640x128xf32, #tpu.memory_space<hbm>>) target_semaphore(%run_scoped3A : memref<!tpu.dma_semaphore, #tpu.memory_space<semaphore_mem>>)
      %dma_wait3A = arith.constant 0 : i32
      %dma_wait3A_43 = tpu.memref_slice %arg5[%arg0, %mul3A_33, %dma_wait3A] : memref<2x10240x128xf32, #tpu.memory_space<hbm>> -> memref<1x640x128xf32, #tpu.memory_space<hbm>>
      %dma_wait3A_44 = tpu.memref_squeeze %dma_wait3A_43 : memref<1x640x128xf32, #tpu.memory_space<hbm>> -> memref<640x128xf32, #tpu.memory_space<hbm>>
      %dma_wait3A_45 = arith.constant 0 : i32
      %dma_wait3A_46 = tpu.memref_slice %arg12[%mul3A_31, %dma_wait3A_45] : memref<10240x128xf32, #tpu.memory_space<vmem_shared>> -> memref<640x128xf32, #tpu.memory_space<vmem_shared>>
      tpu.wait_dma2 semaphore(%run_scoped3A : memref<!tpu.dma_semaphore, #tpu.memory_space<semaphore_mem>>) src(%dma_wait3A_46 : memref<640x128xf32, #tpu.memory_space<vmem_shared>>) dst(%dma_wait3A_44 : memref<640x128xf32, #tpu.memory_space<hbm>>)
      tpu.yield
    }) : () -> ()
    %lt3A_34 = arith.constant 10 : i32
    %lt3A_35 = arith.cmpi slt, %arg1, %lt3A_34 : i32
    %convert_element_type3A_36 = arith.extui %lt3A_35 : i1 to i32
    %cond3A_37 = arith.constant 0 : i32
    %cond3A_38 = arith.cmpi ne, %convert_element_type3A_36, %cond3A_37 : i32
    scf.if %cond3A_38 {
      %mul3A_39 = arith.constant 8 : i32
      %mul3A_40 = arith.muli %arg1, %mul3A_39 : i32
      %mul3A_41 = arith.constant 8 : i32
      %mul3A_42 = arith.muli %arg1, %mul3A_41 : i32
      "tpu.region"() ({
        %run_scoped3A = tpu.sem_alloc : memref<!tpu.dma_semaphore, #tpu.memory_space<semaphore_mem>>
        %dma_start3A = arith.constant 0 : i32
        %dma_start3A_43 = tpu.memref_slice %arg6[%arg0, %mul3A_42, %dma_start3A] : memref<2x80x128xf32, #tpu.memory_space<hbm>> -> memref<1x8x128xf32, #tpu.memory_space<hbm>>
        %dma_start3A_44 = tpu.memref_squeeze %dma_start3A_43 : memref<1x8x128xf32, #tpu.memory_space<hbm>> -> memref<8x128xf32, #tpu.memory_space<hbm>>
        %dma_start3A_45 = arith.constant 0 : i32
        %dma_start3A_46 = tpu.memref_slice %arg13[%mul3A_40, %dma_start3A_45] : memref<80x128xf32, #tpu.memory_space<vmem_shared>> -> memref<8x128xf32, #tpu.memory_space<vmem_shared>>
        tpu.enqueue_dma source(%dma_start3A_46 : memref<8x128xf32, #tpu.memory_space<vmem_shared>>) target(%dma_start3A_44 : memref<8x128xf32, #tpu.memory_space<hbm>>) target_semaphore(%run_scoped3A : memref<!tpu.dma_semaphore, #tpu.memory_space<semaphore_mem>>)
        %dma_wait3A = arith.constant 0 : i32
        %dma_wait3A_47 = tpu.memref_slice %arg6[%arg0, %mul3A_42, %dma_wait3A] : memref<2x80x128xf32, #tpu.memory_space<hbm>> -> memref<1x8x128xf32, #tpu.memory_space<hbm>>
        %dma_wait3A_48 = tpu.memref_squeeze %dma_wait3A_47 : memref<1x8x128xf32, #tpu.memory_space<hbm>> -> memref<8x128xf32, #tpu.memory_space<hbm>>
        %dma_wait3A_49 = arith.constant 0 : i32
        %dma_wait3A_50 = tpu.memref_slice %arg13[%mul3A_40, %dma_wait3A_49] : memref<80x128xf32, #tpu.memory_space<vmem_shared>> -> memref<8x128xf32, #tpu.memory_space<vmem_shared>>
        tpu.wait_dma2 semaphore(%run_scoped3A : memref<!tpu.dma_semaphore, #tpu.memory_space<semaphore_mem>>) src(%dma_wait3A_50 : memref<8x128xf32, #tpu.memory_space<vmem_shared>>) dst(%dma_wait3A_48 : memref<8x128xf32, #tpu.memory_space<hbm>>)
        tpu.yield
      }) : () -> ()
    } else {
    }
    return
  }
}

#map = affine_map<(d0, d1) -> (0)>
#map1 = affine_map<(d0, d1) -> (0, 0)>
module attributes {stable_mosaic.version = 14 : i64} {
  func.func @_gather_body(%arg0: i32, %arg1: i32, %arg2: memref<10240xi32, #tpu.memory_space<hbm>>, %arg3: memref<10240xi32, #tpu.memory_space<hbm>>, %arg4: memref<100000x128xf32, #tpu.memory_space<hbm>>, %arg5: memref<100000x128xf32, #tpu.memory_space<hbm>>, %arg6: memref<10240x128xf32, #tpu.memory_space<hbm>>, %arg7: memref<10240x128xf32, #tpu.memory_space<hbm>>, %arg8: memref<80xi32, #tpu.memory_space<vmem>>, %arg9: memref<80xi32, #tpu.memory_space<vmem>>, %arg10: memref<80x128xf32, #tpu.memory_space<vmem>>, %arg11: memref<80x128xf32, #tpu.memory_space<vmem>>, %arg12: memref<!tpu.dma_semaphore, #tpu.memory_space<semaphore_mem>>) attributes {dimension_semantics = [#tpu.dimension_semantics<core_parallel>, #tpu.dimension_semantics<subcore_parallel>], iteration_bounds = array<i64: 2, 16>, scalar_prefetch = 0 : i64, scratch_operands = 5 : i64, tpu.core_type = #tpu.core_type<sc_vector_subcore>, window_params = [{transform_indices = #map}, {transform_indices = #map}, {transform_indices = #map1}, {transform_indices = #map1}, {transform_indices = #map1}, {transform_indices = #map1}]} {
    %mul3A = arith.constant 16 : i32
    %mul3A_0 = arith.muli %arg0, %mul3A : i32
    %add3A = arith.addi %mul3A_0, %arg1 : i32
    %mul3A_1 = arith.constant 320 : i32
    %mul3A_2 = arith.muli %add3A, %mul3A_1 : i32
    %scan3A = arith.constant 0 : i32
    %scan3A_3 = arith.constant 4 : i32
    %scan3A_4 = arith.addi %scan3A, %scan3A_3 : i32
    %scan3A_5 = arith.constant 1 : i32
    scf.for %scan3A_7 = %scan3A to %scan3A_4 step %scan3A_5  : i32 {
      %mul3A_8 = arith.constant 1 : i32
      %mul3A_9 = arith.muli %scan3A_7, %mul3A_8 : i32
      %add3A_10 = arith.constant 0 : i32
      %add3A_11 = arith.addi %add3A_10, %mul3A_9 : i32
      %mul3A_12 = arith.constant 80 : i32
      %mul3A_13 = arith.muli %add3A_11, %mul3A_12 : i32
      %add3A_14 = arith.addi %mul3A_2, %mul3A_13 : i32
      "tpu.region"() ({
        %run_scoped3A = tpu.sem_alloc : memref<!tpu.dma_semaphore, #tpu.memory_space<semaphore_mem>>
        %dma_start3A_25 = tpu.memref_slice %arg2[%add3A_14] : memref<10240xi32, #tpu.memory_space<hbm>> -> memref<80xi32, #tpu.memory_space<hbm>>
        %dma_start3A_26 = tpu.memref_slice %arg2[%add3A_14] : memref<10240xi32, #tpu.memory_space<hbm>> -> memref<80xi32, #tpu.memory_space<hbm>>
        tpu.enqueue_dma source(%dma_start3A_26 : memref<80xi32, #tpu.memory_space<hbm>>) target(%arg8 : memref<80xi32, #tpu.memory_space<vmem>>) target_semaphore(%run_scoped3A : memref<!tpu.dma_semaphore, #tpu.memory_space<semaphore_mem>>)
        %dma_wait3A_27 = tpu.memref_slice %arg2[%add3A_14] : memref<10240xi32, #tpu.memory_space<hbm>> -> memref<80xi32, #tpu.memory_space<hbm>>
        %dma_wait3A_28 = tpu.memref_slice %arg2[%add3A_14] : memref<10240xi32, #tpu.memory_space<hbm>> -> memref<80xi32, #tpu.memory_space<hbm>>
        tpu.wait_dma2 semaphore(%run_scoped3A : memref<!tpu.dma_semaphore, #tpu.memory_space<semaphore_mem>>) src(%dma_wait3A_28 : memref<80xi32, #tpu.memory_space<hbm>>) dst(%arg8 : memref<80xi32, #tpu.memory_space<vmem>>)
        tpu.yield
      }) : () -> ()
      "tpu.region"() ({
        %run_scoped3A = tpu.sem_alloc : memref<!tpu.dma_semaphore, #tpu.memory_space<semaphore_mem>>
        %dma_start3A_25 = tpu.memref_slice %arg3[%add3A_14] : memref<10240xi32, #tpu.memory_space<hbm>> -> memref<80xi32, #tpu.memory_space<hbm>>
        %dma_start3A_26 = tpu.memref_slice %arg3[%add3A_14] : memref<10240xi32, #tpu.memory_space<hbm>> -> memref<80xi32, #tpu.memory_space<hbm>>
        tpu.enqueue_dma source(%dma_start3A_26 : memref<80xi32, #tpu.memory_space<hbm>>) target(%arg9 : memref<80xi32, #tpu.memory_space<vmem>>) target_semaphore(%run_scoped3A : memref<!tpu.dma_semaphore, #tpu.memory_space<semaphore_mem>>)
        %dma_wait3A_27 = tpu.memref_slice %arg3[%add3A_14] : memref<10240xi32, #tpu.memory_space<hbm>> -> memref<80xi32, #tpu.memory_space<hbm>>
        %dma_wait3A_28 = tpu.memref_slice %arg3[%add3A_14] : memref<10240xi32, #tpu.memory_space<hbm>> -> memref<80xi32, #tpu.memory_space<hbm>>
        tpu.wait_dma2 semaphore(%run_scoped3A : memref<!tpu.dma_semaphore, #tpu.memory_space<semaphore_mem>>) src(%dma_wait3A_28 : memref<80xi32, #tpu.memory_space<hbm>>) dst(%arg9 : memref<80xi32, #tpu.memory_space<vmem>>)
        tpu.yield
      }) : () -> ()
      %dma_start3A = arith.constant 0 : i32
      %dma_start3A_15 = arith.constant 0 : i32
      %dma_start3A_16 = tpu.memref_slice %arg4[%dma_start3A, %dma_start3A_15] : memref<100000x128xf32, #tpu.memory_space<hbm>> -> memref<100000x128xf32, #tpu.memory_space<hbm>>
      tpu.enqueue_indirect_dma source(%dma_start3A_16 : memref<100000x128xf32, #tpu.memory_space<hbm>>) target(%arg10 : memref<80x128xf32, #tpu.memory_space<vmem>>) offsets(%arg8 : memref<80xi32, #tpu.memory_space<vmem>>) semaphore(%arg12 : memref<!tpu.dma_semaphore, #tpu.memory_space<semaphore_mem>>)
      %dma_wait3A = arith.constant 0 : i32
      %dma_wait3A_17 = arith.constant 0 : i32
      %dma_wait3A_18 = tpu.memref_slice %arg4[%dma_wait3A, %dma_wait3A_17] : memref<100000x128xf32, #tpu.memory_space<hbm>> -> memref<100000x128xf32, #tpu.memory_space<hbm>>
      tpu.wait_indirect_dma semaphore(%arg12 : memref<!tpu.dma_semaphore, #tpu.memory_space<semaphore_mem>>) src(%dma_wait3A_18 : memref<100000x128xf32, #tpu.memory_space<hbm>>) dst(%arg10 : memref<80x128xf32, #tpu.memory_space<vmem>>)
      %dma_start3A_19 = arith.constant 0 : i32
      %dma_start3A_20 = arith.constant 0 : i32
      %dma_start3A_21 = tpu.memref_slice %arg5[%dma_start3A_19, %dma_start3A_20] : memref<100000x128xf32, #tpu.memory_space<hbm>> -> memref<100000x128xf32, #tpu.memory_space<hbm>>
      tpu.enqueue_indirect_dma source(%dma_start3A_21 : memref<100000x128xf32, #tpu.memory_space<hbm>>) target(%arg11 : memref<80x128xf32, #tpu.memory_space<vmem>>) offsets(%arg9 : memref<80xi32, #tpu.memory_space<vmem>>) semaphore(%arg12 : memref<!tpu.dma_semaphore, #tpu.memory_space<semaphore_mem>>)
      %dma_wait3A_22 = arith.constant 0 : i32
      %dma_wait3A_23 = arith.constant 0 : i32
      %dma_wait3A_24 = tpu.memref_slice %arg5[%dma_wait3A_22, %dma_wait3A_23] : memref<100000x128xf32, #tpu.memory_space<hbm>> -> memref<100000x128xf32, #tpu.memory_space<hbm>>
      tpu.wait_indirect_dma semaphore(%arg12 : memref<!tpu.dma_semaphore, #tpu.memory_space<semaphore_mem>>) src(%dma_wait3A_24 : memref<100000x128xf32, #tpu.memory_space<hbm>>) dst(%arg11 : memref<80x128xf32, #tpu.memory_space<vmem>>)
      "tpu.region"() ({
        %run_scoped3A = tpu.sem_alloc : memref<!tpu.dma_semaphore, #tpu.memory_space<semaphore_mem>>
        %dma_start3A_25 = arith.constant 0 : i32
        %dma_start3A_26 = tpu.memref_slice %arg6[%add3A_14, %dma_start3A_25] : memref<10240x128xf32, #tpu.memory_space<hbm>> -> memref<80x128xf32, #tpu.memory_space<hbm>>
        %dma_start3A_27 = arith.constant 0 : i32
        %dma_start3A_28 = tpu.memref_slice %arg6[%add3A_14, %dma_start3A_27] : memref<10240x128xf32, #tpu.memory_space<hbm>> -> memref<80x128xf32, #tpu.memory_space<hbm>>
        tpu.enqueue_dma source(%arg10 : memref<80x128xf32, #tpu.memory_space<vmem>>) target(%dma_start3A_28 : memref<80x128xf32, #tpu.memory_space<hbm>>) target_semaphore(%run_scoped3A : memref<!tpu.dma_semaphore, #tpu.memory_space<semaphore_mem>>)
        %dma_wait3A_29 = arith.constant 0 : i32
        %dma_wait3A_30 = tpu.memref_slice %arg6[%add3A_14, %dma_wait3A_29] : memref<10240x128xf32, #tpu.memory_space<hbm>> -> memref<80x128xf32, #tpu.memory_space<hbm>>
        %dma_wait3A_31 = arith.constant 0 : i32
        %dma_wait3A_32 = tpu.memref_slice %arg6[%add3A_14, %dma_wait3A_31] : memref<10240x128xf32, #tpu.memory_space<hbm>> -> memref<80x128xf32, #tpu.memory_space<hbm>>
        tpu.wait_dma2 semaphore(%run_scoped3A : memref<!tpu.dma_semaphore, #tpu.memory_space<semaphore_mem>>) src(%arg10 : memref<80x128xf32, #tpu.memory_space<vmem>>) dst(%dma_wait3A_32 : memref<80x128xf32, #tpu.memory_space<hbm>>)
        tpu.yield
      }) : () -> ()
      "tpu.region"() ({
        %run_scoped3A = tpu.sem_alloc : memref<!tpu.dma_semaphore, #tpu.memory_space<semaphore_mem>>
        %dma_start3A_25 = arith.constant 0 : i32
        %dma_start3A_26 = tpu.memref_slice %arg7[%add3A_14, %dma_start3A_25] : memref<10240x128xf32, #tpu.memory_space<hbm>> -> memref<80x128xf32, #tpu.memory_space<hbm>>
        %dma_start3A_27 = arith.constant 0 : i32
        %dma_start3A_28 = tpu.memref_slice %arg7[%add3A_14, %dma_start3A_27] : memref<10240x128xf32, #tpu.memory_space<hbm>> -> memref<80x128xf32, #tpu.memory_space<hbm>>
        tpu.enqueue_dma source(%arg11 : memref<80x128xf32, #tpu.memory_space<vmem>>) target(%dma_start3A_28 : memref<80x128xf32, #tpu.memory_space<hbm>>) target_semaphore(%run_scoped3A : memref<!tpu.dma_semaphore, #tpu.memory_space<semaphore_mem>>)
        %dma_wait3A_29 = arith.constant 0 : i32
        %dma_wait3A_30 = tpu.memref_slice %arg7[%add3A_14, %dma_wait3A_29] : memref<10240x128xf32, #tpu.memory_space<hbm>> -> memref<80x128xf32, #tpu.memory_space<hbm>>
        %dma_wait3A_31 = arith.constant 0 : i32
        %dma_wait3A_32 = tpu.memref_slice %arg7[%add3A_14, %dma_wait3A_31] : memref<10240x128xf32, #tpu.memory_space<hbm>> -> memref<80x128xf32, #tpu.memory_space<hbm>>
        tpu.wait_dma2 semaphore(%run_scoped3A : memref<!tpu.dma_semaphore, #tpu.memory_space<semaphore_mem>>) src(%arg11 : memref<80x128xf32, #tpu.memory_space<vmem>>) dst(%dma_wait3A_32 : memref<80x128xf32, #tpu.memory_space<hbm>>)
        tpu.yield
      }) : () -> ()
    }
    %scan3A_6 = arith.constant 4 : i32
    return
  }
}

module attributes {stable_mosaic.version = 14 : i64} {
  func.func @_matmul_body(%arg0: i32, %arg1: memref<1280x1xi32, #tpu.memory_space<vmem>>, %arg2: memref<1280x128xf32, #tpu.memory_space<vmem>>, %arg3: memref<1280x128xf32, #tpu.memory_space<vmem>>, %arg4: memref<128x128xf32, #tpu.memory_space<vmem>>, %arg5: memref<128x128xf32, #tpu.memory_space<vmem>>, %arg6: memref<1280x128xf32, #tpu.memory_space<vmem>>, %arg7: memref<1280x128xf32, #tpu.memory_space<vmem>>) attributes {dimension_semantics = [#tpu.dimension_semantics<arbitrary>], iteration_bounds = array<i64: 8>, scalar_prefetch = 0 : i64, scratch_operands = 0 : i64, tpu.core_type = #tpu.core_type<tc>, window_params = [{transform_indices = @transform_0, window_bounds = array<i64: 1280, 1>}, {transform_indices = @transform_1, window_bounds = array<i64: 1280, 128>}, {transform_indices = @transform_2, window_bounds = array<i64: 1280, 128>}, {pipeline_mode = #tpu.pipeline_mode<synchronous>, transform_indices = @transform_3, window_bounds = array<i64: 128, 128>}, {pipeline_mode = #tpu.pipeline_mode<synchronous>, transform_indices = @transform_4, window_bounds = array<i64: 128, 128>}, {transform_indices = @transform_5, window_bounds = array<i64: 1280, 128>}, {transform_indices = @transform_6, window_bounds = array<i64: 1280, 128>}]} {
    %get3A = arith.constant 0 : index
    %get3A_0 = arith.constant 0 : index
    %get3A_1 = vector.load %arg1[%get3A, %get3A_0] : memref<1280x1xi32, #tpu.memory_space<vmem>>, vector<1280x1xi32>
    %lt3A = arith.constant 100000 : i32
    %lt3A_2 = vector.broadcast %lt3A : i32 to vector<1280x1xi32>
    %lt3A_3 = arith.cmpi slt, %get3A_1, %lt3A_2 : vector<1280x1xi32>
    %get3A_4 = arith.constant 0 : index
    %get3A_5 = arith.constant 0 : index
    %get3A_6 = vector.load %arg2[%get3A_4, %get3A_5] : memref<1280x128xf32, #tpu.memory_space<vmem>>, vector<1280x128xf32>
    %get3A_7 = arith.constant 0 : index
    %get3A_8 = arith.constant 0 : index
    %get3A_9 = vector.load %arg3[%get3A_7, %get3A_8] : memref<1280x128xf32, #tpu.memory_space<vmem>>, vector<1280x128xf32>
    %broadcast_in_dim3A = vector.shape_cast %lt3A_3 : vector<1280x1xi1> to vector<1280x1xi1>
    %broadcast_in_dim3A_10 = vector.broadcast %broadcast_in_dim3A : vector<1280x1xi1> to vector<1280x128xi1>
    %select_n3A = arith.select %broadcast_in_dim3A_10, %get3A_6, %get3A_9 : vector<1280x128xi1>, vector<1280x128xf32>
    %get3A_11 = arith.constant 0 : index
    %get3A_12 = arith.constant 0 : index
    %get3A_13 = vector.load %arg4[%get3A_11, %get3A_12] : memref<128x128xf32, #tpu.memory_space<vmem>>, vector<128x128xf32>
    %dot_general3A = arith.constant dense<0.000000e+00> : vector<1280x128xf32>
    %dot_general3A_14 = tpu.matmul %select_n3A, %get3A_13, %dot_general3A {dimension_numbers = #tpu.dot_dimension_numbers<[1], [0], [0], [1], [0, 0, 1, 1], [], []>, transpose_lhs_hint = false} : vector<1280x128xf32>, vector<128x128xf32>, vector<1280x128xf32> -> vector<1280x128xf32>
    %swap3A = arith.constant 0 : index
    %swap3A_15 = arith.constant 0 : index
    %swap3A_16 = vector.load %arg6[%swap3A, %swap3A_15] : memref<1280x128xf32, #tpu.memory_space<vmem>>, vector<1280x128xf32>
    tpu.vector_store %arg6[%swap3A, %swap3A_15], %dot_general3A_14 {strides = array<i32>} : memref<1280x128xf32, #tpu.memory_space<vmem>>, vector<1280x128xf32>,
    %get3A_17 = arith.constant 0 : index
    %get3A_18 = arith.constant 0 : index
    %get3A_19 = vector.load %arg5[%get3A_17, %get3A_18] : memref<128x128xf32, #tpu.memory_space<vmem>>, vector<128x128xf32>
    %dot_general3A_20 = arith.constant dense<0.000000e+00> : vector<1280x128xf32>
    %dot_general3A_21 = tpu.matmul %select_n3A, %get3A_19, %dot_general3A_20 {dimension_numbers = #tpu.dot_dimension_numbers<[1], [0], [0], [1], [0, 0, 1, 1], [], []>, transpose_lhs_hint = false} : vector<1280x128xf32>, vector<128x128xf32>, vector<1280x128xf32> -> vector<1280x128xf32>
    %swap3A_22 = arith.constant 0 : index
    %swap3A_23 = arith.constant 0 : index
    %swap3A_24 = vector.load %arg7[%swap3A_22, %swap3A_23] : memref<1280x128xf32, #tpu.memory_space<vmem>>, vector<1280x128xf32>
    tpu.vector_store %arg7[%swap3A_22, %swap3A_23], %dot_general3A_21 {strides = array<i32>} : memref<1280x128xf32, #tpu.memory_space<vmem>>, vector<1280x128xf32>,
    return
  }
  func.func @transform_0(%arg0: i32) -> (i32, i32) {
    %c0_i32 = arith.constant 0 : i32
    %c0_i32_0 = arith.constant 0 : i32
    return %arg0, %c0_i32 : i32, i32
  }
  func.func @transform_1(%arg0: i32) -> (i32, i32) {
    %c0_i32 = arith.constant 0 : i32
    %c0_i32_0 = arith.constant 0 : i32
    return %arg0, %c0_i32 : i32, i32
  }
  func.func @transform_2(%arg0: i32) -> (i32, i32) {
    %c0_i32 = arith.constant 0 : i32
    %c0_i32_0 = arith.constant 0 : i32
    return %arg0, %c0_i32 : i32, i32
  }
  func.func @transform_3(%arg0: i32) -> (i32, i32) {
    %c0_i32 = arith.constant 0 : i32
    %c0_i32_0 = arith.constant 0 : i32
    %c0_i32_1 = arith.constant 0 : i32
    return %c0_i32, %c0_i32_0 : i32, i32
  }
  func.func @transform_4(%arg0: i32) -> (i32, i32) {
    %c0_i32 = arith.constant 0 : i32
    %c0_i32_0 = arith.constant 0 : i32
    %c0_i32_1 = arith.constant 0 : i32
    return %c0_i32, %c0_i32_0 : i32, i32
  }
  func.func @transform_5(%arg0: i32) -> (i32, i32) {
    %c0_i32 = arith.constant 0 : i32
    %c0_i32_0 = arith.constant 0 : i32
    return %arg0, %c0_i32 : i32, i32
  }
  func.func @transform_6(%arg0: i32) -> (i32, i32) {
    %c0_i32 = arith.constant 0 : i32
    %c0_i32_0 = arith.constant 0 : i32
    return %arg0, %c0_i32 : i32, i32
  }
}

module attributes {stable_mosaic.version = 14 : i64} {
  func.func @_combine_body(%arg0: i32, %arg1: memref<1000x128xf32, #tpu.memory_space<vmem>>, %arg2: memref<2x1000x128xf32, #tpu.memory_space<vmem>>, %arg3: memref<1000x1xf32, #tpu.memory_space<vmem>>, %arg4: memref<1x128xf32, #tpu.memory_space<vmem>>, %arg5: memref<1000x128xf32, #tpu.memory_space<vmem>>) attributes {dimension_semantics = [#tpu.dimension_semantics<arbitrary>], iteration_bounds = array<i64: 10>, scalar_prefetch = 0 : i64, scratch_operands = 0 : i64, tpu.core_type = #tpu.core_type<tc>, window_params = [{transform_indices = @transform_0, window_bounds = array<i64: 1000, 128>}, {transform_indices = @transform_1, window_bounds = array<i64: 2, 1000, 128>}, {transform_indices = @transform_2, window_bounds = array<i64: 1000, 1>}, {pipeline_mode = #tpu.pipeline_mode<synchronous>, transform_indices = @transform_3, window_bounds = array<i64: 1, 128>}, {transform_indices = @transform_4, window_bounds = array<i64: 1000, 128>}]} {
    %get3A = arith.constant 0 : index
    %get3A_0 = arith.constant 0 : index
    %get3A_1 = arith.constant 0 : index
    %get3A_2 = vector.load %arg2[%get3A, %get3A_0, %get3A_1] : memref<2x1000x128xf32, #tpu.memory_space<vmem>>, vector<1x1000x128xf32>
    %get3A_3 = vector.shape_cast %get3A_2 : vector<1x1000x128xf32> to vector<1000x128xf32>
    %get3A_4 = arith.constant 1 : index
    %get3A_5 = arith.constant 0 : index
    %get3A_6 = arith.constant 0 : index
    %get3A_7 = vector.load %arg2[%get3A_4, %get3A_5, %get3A_6] : memref<2x1000x128xf32, #tpu.memory_space<vmem>>, vector<1x1000x128xf32>
    %get3A_8 = vector.shape_cast %get3A_7 : vector<1x1000x128xf32> to vector<1000x128xf32>
    %add3A = arith.addf %get3A_3, %get3A_8 : vector<1000x128xf32>
    %get3A_9 = arith.constant 0 : index
    %get3A_10 = arith.constant 0 : index
    %get3A_11 = vector.load %arg3[%get3A_9, %get3A_10] : memref<1000x1xf32, #tpu.memory_space<vmem>>, vector<1000x1xf32>
    %get3A_12 = arith.constant 0 : index
    %get3A_13 = arith.constant 0 : index
    %get3A_14 = vector.load %arg1[%get3A_12, %get3A_13] : memref<1000x128xf32, #tpu.memory_space<vmem>>, vector<1000x128xf32>
    %max3A = arith.constant 1.000000e+00 : f32
    %max3A_15 = vector.broadcast %max3A : f32 to vector<1000x1xf32>
    %max3A_16 = arith.maximumf %get3A_11, %max3A_15 : vector<1000x1xf32>
    %div3A = vector.broadcast %max3A_16 : vector<1000x1xf32> to vector<1000x128xf32>
    %div3A_17 = arith.divf %add3A, %div3A : vector<1000x128xf32>
    %add3A_18 = arith.addf %get3A_14, %div3A_17 : vector<1000x128xf32>
    %get3A_19 = arith.constant 0 : index
    %get3A_20 = arith.constant 0 : index
    %get3A_21 = vector.load %arg4[%get3A_19, %get3A_20] : memref<1x128xf32, #tpu.memory_space<vmem>>, vector<1x128xf32>
    %add3A_22 = vector.broadcast %get3A_21 : vector<1x128xf32> to vector<1000x128xf32>
    %add3A_23 = arith.addf %add3A_18, %add3A_22 : vector<1000x128xf32>
    %max3A_24 = arith.constant 0.000000e+00 : f32
    %max3A_25 = vector.broadcast %max3A_24 : f32 to vector<1000x128xf32>
    %max3A_26 = arith.maximumf %add3A_23, %max3A_25 : vector<1000x128xf32>
    %swap3A = arith.constant 0 : index
    %swap3A_27 = arith.constant 0 : index
    %swap3A_28 = vector.load %arg5[%swap3A, %swap3A_27] : memref<1000x128xf32, #tpu.memory_space<vmem>>, vector<1000x128xf32>
    tpu.vector_store %arg5[%swap3A, %swap3A_27], %max3A_26 {strides = array<i32>} : memref<1000x128xf32, #tpu.memory_space<vmem>>, vector<1000x128xf32>,
    return
  }
  func.func @transform_0(%arg0: i32) -> (i32, i32) {
    %c0_i32 = arith.constant 0 : i32
    %c0_i32_0 = arith.constant 0 : i32
    return %arg0, %c0_i32 : i32, i32
  }
  func.func @transform_1(%arg0: i32) -> (i32, i32, i32) {
    %c0_i32 = arith.constant 0 : i32
    %c0_i32_0 = arith.constant 0 : i32
    %c0_i32_1 = arith.constant 0 : i32
    return %c0_i32, %arg0, %c0_i32_0 : i32, i32, i32
  }
  func.func @transform_2(%arg0: i32) -> (i32, i32) {
    %c0_i32 = arith.constant 0 : i32
    %c0_i32_0 = arith.constant 0 : i32
    return %arg0, %c0_i32 : i32, i32
  }
  func.func @transform_3(%arg0: i32) -> (i32, i32) {
    %c0_i32 = arith.constant 0 : i32
    %c0_i32_0 = arith.constant 0 : i32
    %c0_i32_1 = arith.constant 0 : i32
    return %c0_i32, %c0_i32_0 : i32, i32
  }
  func.func @transform_4(%arg0: i32) -> (i32, i32) {
    %c0_i32 = arith.constant 0 : i32
    %c0_i32_0 = arith.constant 0 : i32
    return %arg0, %c0_i32 : i32, i32
  }
}

</mosaic_0001>

<sc_bundles>
// kernel: kernel.6.cloned.1.call-start
scs
__scs_entry_jumppad:
0x0: {  	(pc) =	sbr.rel $0x88, $3  }
0x1: {  	(tag) =	ssettag $0x0;
	lr =	simm.s32 $0x1  }
0x2: {  	[smem:$0x3F9A] =	sst lr;
	_ =	strace $0xD0000000  }
0x3: {  	_ = 	snop  }
0x4: {  	_ = 	snop  }
0x5: {  	_ = 	snop  }
0x6: {  	_ = 	snop  }
0x7: {  	_ = 	snop  }
__scs_overlays_trampoline_lowered:
0x8: {  	[smem:$0x3FA9] =	sst s0  }
0x9: {  	[smem:$0x3FAA] =	sst s1  }
0xa: {  	[smem:$0x3FAB] =	sst s2  }
0xb: {  	[smem:$0x3FAC] =	sst s3  }
0xc: {  	[smem:$0x3FAD] =	sst s4  }
0xd: {  	[smem:$0x3FAE] =	sst s5  }
0xe: {  	[smem:$0x3FAF] =	sst s6  }
0xf: {  	[smem:$0x3FB0] =	sst s7  }
0x10: {  	[smem:$0x3FB1] =	sst s8  }
0x11: {  	[smem:$0x3FB2] =	sst s9;
	s0 =	simm.s32 @!p0 $0x0  }
0x12: {  	s1 =	sld [smem:$0x3F98];
	s0 =	simm.s32 @p0 $0x1  }
0x13: {  	[smem:$0x3FB3] =	sst s0;
	s0 =	simm.s32 @!p1 $0x0  }
0x14: {  	s2 =	sld [smem:$0x3F97];
	s0 =	simm.s32 @p1 $0x1  }
0x15: {  	[smem:$0x3FB4] =	sst s0;
	s0 =	simm.s32 @!p2 $0x0  }
0x16: {  	s3 =	sld [smem:$0x3FDB];
	s0 =	simm.s32 @p2 $0x1  }
0x17: {  	s4 =	simm.s32 $0x1BF5;
	[smem:$0x3FB6] =	sst s0  }
0x18: {  	s0 =	sld [smem:$0x3F99];
	_ =	swait.ge [sflag:s4], $0x0  }
0x19: {  	s7 =	sld [smem:$0x3F9A]  }
0x1a: {  	s8 =	sadd.s32 $0xFFFFE003, lr  }
0x1b: {  	s9 =	sadd.s32 $0xFFFFFEF7, lr;
	s5 =	simm.s32 $0xFFFFFFFF;
	p2 =	slt.u32 s8, $0xFFFFF086  }
0x1c: {  	p1 =	slt.u32 s9, $0xF7A;
	s5 =	simm.s32 @!p2 $0x0  }
0x1d: {  	s5 =	simm.s32 @p1 $0x1;
	p0 =	seq.s32 s7, s2  }
0x1e: {  	s7 =	smul.u32 @!p0 $0xF7A, s2;
	p2 =	seq.s32 @!p0 s5, $0x0  }
0x1f: {  	s9 =	smul.u32 $0xF7A, s1;
	s8 =	simm.s32 @!p0 $0x1BF5;
	p2 =	por !p2, p0  }
0x20: {  	[sflag:s8] =	ssyncset.s32 @!p0 $0xFFFFF086;
	s6 =	sadd.s32 @!p0 s3, s7;
	s7 =	simm.s32 @!p0 $0x108  }
0x21: {  	s3 =	sadd.s32 s3, s9;
	s6 =	sadd.s32 @!p0 $0x88, s6;
	s7 =	simm.s32 @p2 $0x1082  }
0x22: {  	[simem:s7], [sflag:s8] =	dma.local @!p0 [hbm:s6], $0xF7A  }
0x23: {  	s9 =	sor.u32 $0xD0000000, s2;
	s6 =	simm.s32 $0x108;
	_ =	swait.ge @!p0 [sflag:s8], $0x0  }
0x24: {  	s3 =	sadd.s32 $0x88, s3;
	s6 =	simm.s32 @!p1 $0x1082;
	[sflag:s4] =	ssyncset.s32 $0xFFFFF086  }
0x25: {  	[simem:s6], [sflag:s4] =	dma.local [hbm:s3], $0xF7A  }
0x26: {  	[smem:$0x3F9A] =	sst s1;
	(tag) =	ssettag s2;
	_ =	strace s9  }
0x27: {  	s1 =	sld [smem:$0x3FAA]  }
0x28: {  	s2 =	sld [smem:$0x3FAB]  }
0x29: {  	s4 =	sld [smem:$0x3FAD]  }
0x2a: {  	p0 =	seq.s32 s5, $0x0;
	s5 =	sld [smem:$0x3FAE]  }
0x2b: {  	s6 =	sld [smem:$0x3FAF]  }
0x2c: {  	s7 =	sld [smem:$0x3FB0]  }
0x2d: {  	s3 =	simm.s32 $0x108;
	s8 =	sld [smem:$0x3FB1]  }
0x2e: {  	s3 =	simm.s32 @!p0 $0x1082;
	s9 =	sld [smem:$0x3FB2]  }
0x2f: {  	lr =	sadd.s32 s0, s3;
	s0 =	sld [smem:$0x3FA9]  }
0x30: {  	s3 =	sld [smem:$0x3FAC]  }
0x31: {  	[smem:$0x3FB5] =	sst s10  }
0x32: {  	s10 =	sld [smem:$0x3FB3];
	_ =	sdelay $0x3  }
0x33: {  	p0 =	seq.s32 s10, $0x1;
	s10 =	sld [smem:$0x3FB5];
	_ =	sdelay $0x3  }
0x34: {  	[smem:$0x3FB5] =	sst s10  }
0x35: {  	s10 =	sld [smem:$0x3FB4];
	_ =	sdelay $0x3  }
0x36: {  	p1 =	seq.s32 s10, $0x1;
	s10 =	sld [smem:$0x3FB5];
	_ =	sdelay $0x3  }
0x37: {  	[smem:$0x3FB5] =	sst s10  }
0x38: {  	s10 =	sld [smem:$0x3FB6]  }
0x39: {  	_ = 	snop;
	(pc) =	sbr.ind lr, $3  }
0x3a: {  	_ = 	snop  }
0x3b: {  	_ = 	snop  }
0x3c: {  	p2 =	seq.s32 s10, $0x1;
	s10 =	sld [smem:$0x3FB5]  }
0x3d: {  	_ =	shalt  }
0x3e: {  	_ =	shalt  }
0x3f: {  	_ =	shalt  }
0x40: {  	_ =	shalt  }
0x41: {  	_ =	shalt  }
0x42: {  	_ =	shalt  }
0x43: {  	_ =	shalt  }
0x44: {  	_ =	shalt  }
0x45: {  	_ =	shalt  }
0x46: {  	_ =	shalt  }
0x47: {  	_ =	shalt  }
0x48: {  	_ =	shalt  }
0x49: {  	_ =	shalt  }
0x4a: {  	_ =	shalt  }
0x4b: {  	_ =	shalt  }
0x4c: {  	_ =	shalt  }
0x4d: {  	_ =	shalt  }
0x4e: {  	_ =	shalt  }
0x4f: {  	_ =	shalt  }
0x50: {  	_ =	shalt  }
0x51: {  	_ =	shalt  }
0x52: {  	_ =	shalt  }
0x53: {  	_ =	shalt  }
0x54: {  	_ =	shalt  }
0x55: {  	_ =	shalt  }
0x56: {  	_ =	shalt  }
0x57: {  	_ =	shalt  }
0x58: {  	_ =	shalt  }
0x59: {  	_ =	shalt  }
0x5a: {  	_ =	shalt  }
0x5b: {  	_ =	shalt  }
0x5c: {  	_ =	shalt  }
0x5d: {  	_ =	shalt  }
0x5e: {  	_ =	shalt  }
0x5f: {  	_ =	shalt  }
0x60: {  	_ =	shalt  }
0x61: {  	_ =	shalt  }
0x62: {  	_ =	shalt  }
0x63: {  	_ =	shalt  }
0x64: {  	_ =	shalt  }
0x65: {  	_ =	shalt  }
0x66: {  	_ =	shalt  }
0x67: {  	_ =	shalt  }
0x68: {  	_ =	shalt  }
0x69: {  	_ =	shalt  }
0x6a: {  	_ =	shalt  }
0x6b: {  	_ =	shalt  }
0x6c: {  	_ =	shalt  }
0x6d: {  	_ =	shalt  }
0x6e: {  	_ =	shalt  }
0x6f: {  	_ =	shalt  }
0x70: {  	_ =	shalt  }
0x71: {  	_ =	shalt  }
0x72: {  	_ =	shalt  }
0x73: {  	_ =	shalt  }
0x74: {  	_ =	shalt  }
0x75: {  	_ =	shalt  }
0x76: {  	_ =	shalt  }
0x77: {  	_ =	shalt  }
0x78: {  	_ =	shalt  }
0x79: {  	_ =	shalt  }
0x7a: {  	_ =	shalt  }
0x7b: {  	_ =	shalt  }
0x7c: {  	_ =	shalt  }
0x7d: {  	_ =	shalt  }
0x7e: {  	_ =	shalt  }
0x7f: {  	_ =	shalt  }
0x80: {  	_ =	shalt  }
0x81: {  	_ =	shalt  }
0x82: {  	_ =	shalt  }
0x83: {  	_ =	shalt  }
0x84: {  	_ =	shalt  }
0x85: {  	_ =	shalt  }
0x86: {  	_ =	shalt  }
0x87: {  	_ =	shalt  }
.Lfunc_end0:
.L_simem_size_0:
called_computation_lowered:
.L_overlay_start_0:
0x88: {  	s2 =	sld [smem:$0x3FD9]  }
0x89: {  	s3 =	sld [smem:$0x3FFE];
	_ =	sdelay $0x1  }
0x8a: {  	s1 =	srdreg.scid  }
0x8b: {  	s0 =	sand.u32 $0x1, s1  }
0x8c: {  	s17 =	sshll.u32 s0, $0xA;
	s2 =	sadd.s32 s3, s2  }
0x8d: {  	s2 =	sadd.s32 s2, s17  }
0x8e: {  	[smem:$0x3FC1] =	sst s2  }
0x8f: {  	_ = 	snop  }
0x90: {  	s2 =	sld [smem:$0x3FC7]  }
0x91: {  	s18 =	sld [smem:$0x3FC6];
	(tm) =	ssettm $0x1  }
0x92: {  	s4 =	sld [smem:$0x3FFB];
	_ =	sdelay $0x3  }
0x93: {  	_ =	strace s4  }
0x94: {  	s4 =	sld [smem:$0x3FFC];
	_ =	sdelay $0x3  }
0x95: {  	_ =	strace s4  }
0x96: {  	s4 =	sld [smem:$0x3FFD];
	_ =	sdelay $0x3  }
0x97: {  	_ =	strace s4  }
0x98: {  	_ =	strace $0x8FFFFFFF  }
0x99: {  	s19 =	sld [smem:$0x3FDB];
	_ =	sdelay $0x1  }
0x9a: {  	s5 =	simm.s32 $_scs_section_size  }
0x9b: {  	s6 =	simm.s32 $_size__tile_overlayer_lowered;
	s7 =	simm.s32 $_tile_overlayer_lowered  }
0x9c: {  	s22 =	simm.s32 $0x1BFF;
	s21 =	sshll.u32 s7, $0x1;
	s4 =	sadd.s32 s5, s19  }
0x9d: {  	s8 =	simm.s32 $0x0;
	s20 =	sshll.u32 s6, $0x1;
	s6 =	sadd.s32 s21, s4  }
0x9e: {  	[timem:s8], [sflag:s22] =	dma.local [hbm:s6], s20  }
0x9f: {  	_ =	swait.ge [sflag:s22], s20  }
0xa0: {  	s5 =	ssub.s32 $0x0, s20;
	[sflag:s22] =	ssyncset.done $0x0  }
0xa1: {  	[sflag:s22] =	ssyncadd.s32 s5;
	_ =	sdelay $0x1  }
0xa2: {  	s23 =	simm.s32 $0x1B8B  }
0xa3: {  	_ =	swait.ge [sflag:s23], $0x1  }
0xa4: {  	[sflag:s23] =	ssyncset.done $0x0  }
0xa5: {  	s25 =	simm.s32 $0x1B8E;
	s24 =	sld [smem:$0x3FFE];
	[sflag:s23] =	ssyncadd.s32 $0xFFFFFFFF  }
0xa6: {  	s26 =	simm.s32 $execute0_lowered;
	[smem:$0x3FD2] =	sst s25  }
0xa7: {  	s6 =	sshll.u32 s26, $0x1;
	_ =	strace $0x80000046;
	[dreg:$0x1] =	wrdreg $0xFFFFFFFF  }
0xa8: {  	s28 =	simm.s32 $_size_execute0_lowered;
	s4 =	sadd.s32 s4, s6;
	[dreg:$0x0] =	wrdreg $0x0  }
0xa9: {  	s6 =	sshll.u32 s28, $0x1;
	[dreg:$0x2] =	wrdreg s4  }
0xaa: {  	[dreg:$0x3] =	wrdreg s6  }
0xab: {  	[dreg:$0x4] =	wrdreg $0xC0  }
0xac: {  	_ =	task [dreg:s8], $0x5FFFF  }
0xad: {  	[dreg:$0x1] =	wrdreg $0xFFFFFFFF  }
0xae: {  	[dreg:$0x0] =	wrdreg $0x60  }
0xaf: {  	[dreg:$0x2] =	wrdreg s24  }
0xb0: {  	[dreg:$0x3] =	wrdreg s2  }
0xb1: {  	[dreg:$0x4] =	wrdreg s18  }
0xb2: {  	[dreg:$0x5] =	wrdreg $0x9  }
0xb3: {  	_ =	task.clear_ibuf [dreg:s8], $0x6FFFF;
	_ =	strace $0x90000046  }
0xb4: {  	s29 =	simm.s32 $0x9;
	_ =	strace $0x80000048  }
0xb5: {  	_ =	swait.ge [sflag:s29], $0x1  }
0xb6: {  	[sflag:s29] =	ssyncadd.s32 $0xFFFFFFFF  }
0xb7: {  	_ =	strace $0x90000048  }
0xb8: {  	_ =	sfence  }
0xb9: {  	s30 =	sld [smem:$0x0];
	_ =	sdelay $0x2  }
0xba: {  	s31 =	sshll.u32 s1, $0xD;
	s1 =	sshrl.u32 s1, $0x2  }
0xbb: {  	s3 =	sand.u32 $0x4000, s31;
	s1 =	sadd.s32 s1, s30  }
0xbc: {  	s0 =	sor.u32 s3, s0;
	s1 =	sshll.u32 s1, $0x11  }
0xbd: {  	s0 =	sor.u32 s1, s0  }
0xbe: {  	s0 =	sadd.s32 $0x8F2B, s0  }
0xbf: {  	[sflag:s0] =	ssyncadd.remote.s32 $0x1  }
0xc0: {  	_ =	sfence.sel $0xFFFF  }
0xc1: {  	[dreg:$0x0] =	wrdreg $0xFFFFFFFF;
	(pc) =	sbr.abs _section_cstart, $3  }
0xc2: {  	[dreg:$0x1] =	wrdreg $0xFFFFFFFF  }
0xc3: {  	_ =	task.clear_ibuf [dreg:s8], $0x2FFFF;
	_ =	strace $0x9FFFFFFF  }
0xc4: {  	(tm) =	ssettm $0x7FFFFFFF  }
0xc5: {  	_ =	shalt  }
tec
execute0_lowered:
.L_overlay_start_1:
0x0: {  	(tag) =	ssettag $0x1  }
0x1: {  	s5 =	rddreg [dreg:$0x0]  }
0x2: {  	s1 =	rddreg [dreg:$0x1]  }
0x3: {  	s2 =	rddreg [dreg:$0x2];
	s3 =	srdreg.scid  }
0x4: {  	s0 =	rddreg [dreg:$0x3];
	s4 =	simm.s32 $0x0;
	s12 =	simm.s32 $0x50  }
0x5: {  	s13 =	simm.s32 $0x100;
	s14 =	simm.s32 $0x1;
	s6 =	sand.u32 $0x1, s3  }
0x6: {  	s15 =	simm.s32 $0x2900;
	s3 =	stileid.u32;
	s7 =	smul.u32 $0x1400, s6  }
0x7: {  	s16 =	simm.s32 $0x0;
	[smem:$0x7FF] =	sst s4;
	s8 =	smul.u32 $0x140, s3  }
0x8: {  	_ =	strace $0x80000047;
	s9 =	smul.u32 $0x14000, s6;
	s6 =	ssub.s32 $0x2, s6  }
0x9: {  	s29 =	smul.u32 $0x1400, s3;
	s10 =	sshrl.u32 s6, $0x1;
	s7 =	sadd.s32 s8, s7  }
0xa: {  	s9 =	sadd.s32 s9, s5;
	s30 =	ssub.s32 s6, s10;
	s7 =	sshrl.u32 s7, $0x3  }
0xb: {  	s10 =	simm.s32 $0x2;
	s31 =	sadd.s32 s29, s9;
	s11 =	sadd.s32 s7, s5  }
0xc: {  	s5 =	smax.u32 s30, $0x1;
	s6 =	sadd.s32 $0x2600, s31;
	s7 =	sadd.s32 $0x2A600, s31  }
0xd: {  	s8 =	sadd.s32 $0x1A00, s11;
	s9 =	sadd.s32 $0x2000, s11;
	s11 =	simm.s32 $0x80  }
.LBB2_1:
0xe: {  	s17 =	sadd.s32 $0x0, s9  }
0xf: {  	[tilespmem:s4], [sflag:$0x2] =	stream.linear.gather [hbm4b:s17+s4], $0x50, $0x38;
	[tilespmem:$0x5100] =	vst v63  }
0x10: {  	_ =	swait.ge [sflag:s10], $0x50  }
0x11: {  	[sflag:s10] =	ssyncset.done $0x0  }
0x12: {  	s31 =	sadd.s32 $0x0, s8;
	[sflag:s10] =	ssyncadd.s32 $0xFFFFFFB0  }
0x13: {  	[tilespmem:s11], [sflag:$0x2] =	stream.linear.gather [hbm4b:s31+s4], $0x50, $0x38;
	[tilespmem:$0x5100] =	vst v63  }
0x14: {  	_ =	swait.ge [sflag:s10], $0x50  }
0x15: {  	[sflag:s10] =	ssyncset.done $0x0  }
0x16: {  	[sflag:s10] =	ssyncadd.s32 $0xFFFFFFB0  }
0x17: {  	[tilespmem:s13], [sflag:$0x1] =	stream.indirect.gather [hbm4b:s1+s12], $0x80, s4, s12, $0xb8;
	[tilespmem:$0x5100] =	vst v63  }
0x18: {  	_ =	swait.ge [sflag:s14], $0x2800  }
0x19: {  	[sflag:s14] =	ssyncset.done $0x0  }
0x1a: {  	[sflag:s14] =	ssyncadd.s32 $0xFFFFD800  }
0x1b: {  	[tilespmem:s15], [sflag:$0x1] =	stream.indirect.gather [hbm4b:s2+s12], $0x80, s11, s12, $0xb8;
	[tilespmem:$0x5100] =	vst v63  }
0x1c: {  	_ =	swait.ge [sflag:s14], $0x2800  }
0x1d: {  	[sflag:s14] =	ssyncset.done $0x0  }
0x1e: {  	[sflag:s14] =	ssyncadd.s32 $0xFFFFD800  }
0x1f: {  	[hbm4b:s6+s4] =	stream.linear.scatter [tilespmem:s13], [sflag:$0x2], $0x2800, $0x38;
	[tilespmem:$0x5100] =	vst v63  }
0x20: {  	_ =	swait.ge [sflag:s10], $0x2800  }
0x21: {  	[sflag:s10] =	ssyncset.done $0x0  }
0x22: {  	[sflag:s10] =	ssyncadd.s32 $0xFFFFD800  }
0x23: {  	[hbm4b:s7+s4] =	stream.linear.scatter [tilespmem:s15], [sflag:$0x2], $0x2800, $0x38;
	[tilespmem:$0x5100] =	vst v63  }
0x24: {  	s19 =	simm.s32 $0xA;
	s20 =	simm.s32 $0x14;
	_ =	swait.ge [sflag:s10], $0x2800  }
0x25: {  	s18 =	sadd.s32 $0x500, s6;
	s17 =	sadd.s32 $0x500, s7;
	[sflag:s10] =	ssyncset.done $0x0  }
.LBB2_2:
0x26: {  	s21 =	sadd.s32 s19, s9  }
0x27: {  	[sflag:s10] =	ssyncadd.s32 $0xFFFFD800;
	s22 =	smov.u32 s20;
	s23 =	sadd.s32 $0xA, s20  }
0x28: {  	[tilespmem:s4], [sflag:$0x2] =	stream.linear.gather [hbm4b:s21+s4], $0x50, $0x38;
	[tilespmem:$0x5100] =	vst v63  }
0x29: {  	p0 =	sne.s32 s20, $0x1E;
	_ =	swait.ge [sflag:s10], $0x50  }
0x2a: {  	[sflag:s10] =	ssyncset.done $0x0  }
0x2b: {  	s20 =	sadd.s32 s19, s8;
	s19 =	smov.u32 s22;
	[sflag:s10] =	ssyncadd.s32 $0xFFFFFFB0  }
0x2c: {  	[tilespmem:s11], [sflag:$0x2] =	stream.linear.gather [hbm4b:s20+s4], $0x50, $0x38;
	[tilespmem:$0x5100] =	vst v63  }
0x2d: {  	_ =	swait.ge [sflag:s10], $0x50  }
0x2e: {  	[sflag:s10] =	ssyncset.done $0x0  }
0x2f: {  	[sflag:s10] =	ssyncadd.s32 $0xFFFFFFB0  }
0x30: {  	[tilespmem:s13], [sflag:$0x1] =	stream.indirect.gather [hbm4b:s1+s12], $0x80, s4, s12, $0xb8;
	[tilespmem:$0x5100] =	vst v63  }
0x31: {  	_ =	swait.ge [sflag:s14], $0x2800  }
0x32: {  	[sflag:s14] =	ssyncset.done $0x0  }
0x33: {  	[sflag:s14] =	ssyncadd.s32 $0xFFFFD800  }
0x34: {  	[tilespmem:s15], [sflag:$0x1] =	stream.indirect.gather [hbm4b:s2+s12], $0x80, s11, s12, $0xb8;
	[tilespmem:$0x5100] =	vst v63  }
0x35: {  	_ =	swait.ge [sflag:s14], $0x2800  }
0x36: {  	[sflag:s14] =	ssyncset.done $0x0  }
0x37: {  	[sflag:s14] =	ssyncadd.s32 $0xFFFFD800  }
0x38: {  	[hbm4b:s18+s4] =	stream.linear.scatter [tilespmem:s13], [sflag:$0x2], $0x2800, $0x38;
	[tilespmem:$0x5100] =	vst v63  }
0x39: {  	_ =	swait.ge [sflag:s10], $0x2800  }
.Ltmp0:
0x3a: {  	[sflag:s10] =	ssyncset.done $0x0;
	(pc) =	sbr.rel @p0 .LBB2_2-.Ltmp0, $4  }
0x3b: {  	[sflag:s10] =	ssyncadd.s32 $0xFFFFD800  }
0x3c: {  	[hbm4b:s17+s4] =	stream.linear.scatter [tilespmem:s15], [sflag:$0x2], $0x2800, $0x38;
	[tilespmem:$0x5100] =	vst v63  }
0x3d: {  	s20 =	smov.u32 s23;
	_ =	swait.ge [sflag:s10], $0x2800  }
0x3e: {  	s18 =	sadd.s32 $0x500, s18;
	s17 =	sadd.s32 $0x500, s17;
	[sflag:s10] =	ssyncset.done $0x0  }
0x3f: {  	s20 =	sadd.s32 s19, s9;
	[sflag:s10] =	ssyncadd.s32 $0xFFFFD800  }
0x40: {  	[tilespmem:s4], [sflag:$0x2] =	stream.linear.gather [hbm4b:s20+s4], $0x50, $0x38;
	[tilespmem:$0x5100] =	vst v63  }
0x41: {  	_ =	swait.ge [sflag:s10], $0x50  }
0x42: {  	[sflag:s10] =	ssyncset.done $0x0  }
0x43: {  	s31 =	sadd.s32 s19, s8;
	[sflag:s10] =	ssyncadd.s32 $0xFFFFFFB0  }
0x44: {  	[tilespmem:s11], [sflag:$0x2] =	stream.linear.gather [hbm4b:s31+s4], $0x50, $0x38;
	[tilespmem:$0x5100] =	vst v63  }
0x45: {  	_ =	swait.ge [sflag:s10], $0x50  }
0x46: {  	[sflag:s10] =	ssyncset.done $0x0  }
0x47: {  	[sflag:s10] =	ssyncadd.s32 $0xFFFFFFB0  }
0x48: {  	[tilespmem:s13], [sflag:$0x1] =	stream.indirect.gather [hbm4b:s1+s12], $0x80, s4, s12, $0xb8;
	[tilespmem:$0x5100] =	vst v63  }
0x49: {  	_ =	swait.ge [sflag:s14], $0x2800  }
0x4a: {  	[sflag:s14] =	ssyncset.done $0x0  }
0x4b: {  	[sflag:s14] =	ssyncadd.s32 $0xFFFFD800  }
0x4c: {  	[tilespmem:s15], [sflag:$0x1] =	stream.indirect.gather [hbm4b:s2+s12], $0x80, s11, s12, $0xb8;
	[tilespmem:$0x5100] =	vst v63  }
0x4d: {  	_ =	swait.ge [sflag:s14], $0x2800  }
0x4e: {  	[sflag:s14] =	ssyncset.done $0x0  }
0x4f: {  	[sflag:s14] =	ssyncadd.s32 $0xFFFFD800  }
0x50: {  	[hbm4b:s18+s4] =	stream.linear.scatter [tilespmem:s13], [sflag:$0x2], $0x2800, $0x38;
	[tilespmem:$0x5100] =	vst v63  }
0x51: {  	s16 =	sadd.s32 $0x1, s16;
	_ =	swait.ge [sflag:s10], $0x2800  }
0x52: {  	p0 =	sne.s32 s16, s5;
	[sflag:s10] =	ssyncset.done $0x0  }
.Ltmp1:
0x53: {  	[sflag:s10] =	ssyncadd.s32 $0xFFFFD800;
	(pc) =	sbr.rel @p0 .LBB2_1-.Ltmp1, $4  }
0x54: {  	[hbm4b:s17+s4] =	stream.linear.scatter [tilespmem:s15], [sflag:$0x2], $0x2800, $0x38;
	[tilespmem:$0x5100] =	vst v63  }
0x55: {  	_ =	swait.ge [sflag:s10], $0x2800  }
0x56: {  	[sflag:s10] =	ssyncset.done $0x0  }
0x57: {  	[sflag:s10] =	ssyncadd.s32 $0xFFFFD800  }
0x58: {  	_ =	sfence.sel $0x180000  }
0x59: {  	[bflag:$0x0] =	sbarrier.arrive $0xFFFF  }
0x5a: {  	p0 =	sne.s32 s3, $0x0;
	_ =	strace $0x90000047  }
0x5b: {  	s0 =	sadd.s32 @!p0 $0x100000, s0;
	[bflag:$0x2] =	sbarrier.arrive $0xFFFF  }
0x5c: {  	[sflag:s0] =	ssyncadd.tile.s32 @!p0 $0x1;
	_ =	shalt  }
.Lfunc_end2:
_tile_overlayer_lowered:
.L_overlay_start_2:
0x5d: {  	(tag) =	ssettag $0x2  }
0x5e: {  	s0 =	rddreg [dreg:$0x0];
	s2 =	stileid.u32  }
0x5f: {  	s1 =	rddreg [dreg:$0x1];
	p0 =	sne.s32 s2, $0x0  }
0x60: {  	s3 =	rddreg [dreg:$0x2];
	[bflag:$0x3] =	sbarrier.arrive $0xFFFF;
	s2 =	simm.s32 @!p0 $0x1C02  }
0x61: {  	[timem:s3], [sflag:s2] =	dma.local @!p0 [hbm:s0], s1  }
0x62: {  	s0 =	simm.s32 @!p0 $0x2  }
0x63: {  	_ =	swait.ge @!p0 [sflag:s0], s1  }
0x64: {  	s1 =	ssub.s32 @!p0 $0x0, s1;
	[sflag:s0] =	ssyncset.done @!p0 $0x0  }
0x65: {  	[sflag:s0] =	ssyncadd.s32 @!p0 s1  }
0x66: {  	[bflag:$0x3] =	sbarrier.arrive $0xFFFF  }
0x67: {  	_ =	shalt  }

// kernel: kernel.9.cloned.1.call-start
scs
__scs_entry_jumppad:
0x0: {  	(pc) =	sbr.rel $0x88, $3  }
0x1: {  	(tag) =	ssettag $0x0;
	lr =	simm.s32 $0x1  }
0x2: {  	[smem:$0x3F9A] =	sst lr;
	_ =	strace $0xD0000000  }
0x3: {  	_ = 	snop  }
0x4: {  	_ = 	snop  }
0x5: {  	_ = 	snop  }
0x6: {  	_ = 	snop  }
0x7: {  	_ = 	snop  }
__scs_overlays_trampoline_lowered:
0x8: {  	[smem:$0x3FA9] =	sst s0  }
0x9: {  	[smem:$0x3FAA] =	sst s1  }
0xa: {  	[smem:$0x3FAB] =	sst s2  }
0xb: {  	[smem:$0x3FAC] =	sst s3  }
0xc: {  	[smem:$0x3FAD] =	sst s4  }
0xd: {  	[smem:$0x3FAE] =	sst s5  }
0xe: {  	[smem:$0x3FAF] =	sst s6  }
0xf: {  	[smem:$0x3FB0] =	sst s7  }
0x10: {  	[smem:$0x3FB1] =	sst s8  }
0x11: {  	[smem:$0x3FB2] =	sst s9;
	s0 =	simm.s32 @!p0 $0x0  }
0x12: {  	s1 =	sld [smem:$0x3F98];
	s0 =	simm.s32 @p0 $0x1  }
0x13: {  	[smem:$0x3FB3] =	sst s0;
	s0 =	simm.s32 @!p1 $0x0  }
0x14: {  	s2 =	sld [smem:$0x3F97];
	s0 =	simm.s32 @p1 $0x1  }
0x15: {  	[smem:$0x3FB4] =	sst s0;
	s0 =	simm.s32 @!p2 $0x0  }
0x16: {  	s3 =	sld [smem:$0x3FDB];
	s0 =	simm.s32 @p2 $0x1  }
0x17: {  	s4 =	simm.s32 $0x1BF5;
	[smem:$0x3FB6] =	sst s0  }
0x18: {  	s0 =	sld [smem:$0x3F99];
	_ =	swait.ge [sflag:s4], $0x0  }
0x19: {  	s7 =	sld [smem:$0x3F9A]  }
0x1a: {  	s8 =	sadd.s32 $0xFFFFE003, lr  }
0x1b: {  	s9 =	sadd.s32 $0xFFFFFEF7, lr;
	s5 =	simm.s32 $0xFFFFFFFF;
	p2 =	slt.u32 s8, $0xFFFFF086  }
0x1c: {  	p1 =	slt.u32 s9, $0xF7A;
	s5 =	simm.s32 @!p2 $0x0  }
0x1d: {  	s5 =	simm.s32 @p1 $0x1;
	p0 =	seq.s32 s7, s2  }
0x1e: {  	s7 =	smul.u32 @!p0 $0xF7A, s2;
	p2 =	seq.s32 @!p0 s5, $0x0  }
0x1f: {  	s9 =	smul.u32 $0xF7A, s1;
	s8 =	simm.s32 @!p0 $0x1BF5;
	p2 =	por !p2, p0  }
0x20: {  	[sflag:s8] =	ssyncset.s32 @!p0 $0xFFFFF086;
	s6 =	sadd.s32 @!p0 s3, s7;
	s7 =	simm.s32 @!p0 $0x108  }
0x21: {  	s3 =	sadd.s32 s3, s9;
	s6 =	sadd.s32 @!p0 $0x88, s6;
	s7 =	simm.s32 @p2 $0x1082  }
0x22: {  	[simem:s7], [sflag:s8] =	dma.local @!p0 [hbm:s6], $0xF7A  }
0x23: {  	s9 =	sor.u32 $0xD0000000, s2;
	s6 =	simm.s32 $0x108;
	_ =	swait.ge @!p0 [sflag:s8], $0x0  }
0x24: {  	s3 =	sadd.s32 $0x88, s3;
	s6 =	simm.s32 @!p1 $0x1082;
	[sflag:s4] =	ssyncset.s32 $0xFFFFF086  }
0x25: {  	[simem:s6], [sflag:s4] =	dma.local [hbm:s3], $0xF7A  }
0x26: {  	[smem:$0x3F9A] =	sst s1;
	(tag) =	ssettag s2;
	_ =	strace s9  }
0x27: {  	s1 =	sld [smem:$0x3FAA]  }
0x28: {  	s2 =	sld [smem:$0x3FAB]  }
0x29: {  	s4 =	sld [smem:$0x3FAD]  }
0x2a: {  	p0 =	seq.s32 s5, $0x0;
	s5 =	sld [smem:$0x3FAE]  }
0x2b: {  	s6 =	sld [smem:$0x3FAF]  }
0x2c: {  	s7 =	sld [smem:$0x3FB0]  }
0x2d: {  	s3 =	simm.s32 $0x108;
	s8 =	sld [smem:$0x3FB1]  }
0x2e: {  	s3 =	simm.s32 @!p0 $0x1082;
	s9 =	sld [smem:$0x3FB2]  }
0x2f: {  	lr =	sadd.s32 s0, s3;
	s0 =	sld [smem:$0x3FA9]  }
0x30: {  	s3 =	sld [smem:$0x3FAC]  }
0x31: {  	[smem:$0x3FB5] =	sst s10  }
0x32: {  	s10 =	sld [smem:$0x3FB3];
	_ =	sdelay $0x3  }
0x33: {  	p0 =	seq.s32 s10, $0x1;
	s10 =	sld [smem:$0x3FB5];
	_ =	sdelay $0x3  }
0x34: {  	[smem:$0x3FB5] =	sst s10  }
0x35: {  	s10 =	sld [smem:$0x3FB4];
	_ =	sdelay $0x3  }
0x36: {  	p1 =	seq.s32 s10, $0x1;
	s10 =	sld [smem:$0x3FB5];
	_ =	sdelay $0x3  }
0x37: {  	[smem:$0x3FB5] =	sst s10  }
0x38: {  	s10 =	sld [smem:$0x3FB6]  }
0x39: {  	_ = 	snop;
	(pc) =	sbr.ind lr, $3  }
0x3a: {  	_ = 	snop  }
0x3b: {  	_ = 	snop  }
0x3c: {  	p2 =	seq.s32 s10, $0x1;
	s10 =	sld [smem:$0x3FB5]  }
0x3d: {  	_ =	shalt  }
0x3e: {  	_ =	shalt  }
0x3f: {  	_ =	shalt  }
0x40: {  	_ =	shalt  }
0x41: {  	_ =	shalt  }
0x42: {  	_ =	shalt  }
0x43: {  	_ =	shalt  }
0x44: {  	_ =	shalt  }
0x45: {  	_ =	shalt  }
0x46: {  	_ =	shalt  }
0x47: {  	_ =	shalt  }
0x48: {  	_ =	shalt  }
0x49: {  	_ =	shalt  }
0x4a: {  	_ =	shalt  }
0x4b: {  	_ =	shalt  }
0x4c: {  	_ =	shalt  }
0x4d: {  	_ =	shalt  }
0x4e: {  	_ =	shalt  }
0x4f: {  	_ =	shalt  }
0x50: {  	_ =	shalt  }
0x51: {  	_ =	shalt  }
0x52: {  	_ =	shalt  }
0x53: {  	_ =	shalt  }
0x54: {  	_ =	shalt  }
0x55: {  	_ =	shalt  }
0x56: {  	_ =	shalt  }
0x57: {  	_ =	shalt  }
0x58: {  	_ =	shalt  }
0x59: {  	_ =	shalt  }
0x5a: {  	_ =	shalt  }
0x5b: {  	_ =	shalt  }
0x5c: {  	_ =	shalt  }
0x5d: {  	_ =	shalt  }
0x5e: {  	_ =	shalt  }
0x5f: {  	_ =	shalt  }
0x60: {  	_ =	shalt  }
0x61: {  	_ =	shalt  }
0x62: {  	_ =	shalt  }
0x63: {  	_ =	shalt  }
0x64: {  	_ =	shalt  }
0x65: {  	_ =	shalt  }
0x66: {  	_ =	shalt  }
0x67: {  	_ =	shalt  }
0x68: {  	_ =	shalt  }
0x69: {  	_ =	shalt  }
0x6a: {  	_ =	shalt  }
0x6b: {  	_ =	shalt  }
0x6c: {  	_ =	shalt  }
0x6d: {  	_ =	shalt  }
0x6e: {  	_ =	shalt  }
0x6f: {  	_ =	shalt  }
0x70: {  	_ =	shalt  }
0x71: {  	_ =	shalt  }
0x72: {  	_ =	shalt  }
0x73: {  	_ =	shalt  }
0x74: {  	_ =	shalt  }
0x75: {  	_ =	shalt  }
0x76: {  	_ =	shalt  }
0x77: {  	_ =	shalt  }
0x78: {  	_ =	shalt  }
0x79: {  	_ =	shalt  }
0x7a: {  	_ =	shalt  }
0x7b: {  	_ =	shalt  }
0x7c: {  	_ =	shalt  }
0x7d: {  	_ =	shalt  }
0x7e: {  	_ =	shalt  }
0x7f: {  	_ =	shalt  }
0x80: {  	_ =	shalt  }
0x81: {  	_ =	shalt  }
0x82: {  	_ =	shalt  }
0x83: {  	_ =	shalt  }
0x84: {  	_ =	shalt  }
0x85: {  	_ =	shalt  }
0x86: {  	_ =	shalt  }
0x87: {  	_ =	shalt  }
.Lfunc_end0:
.L_simem_size_0:
called_computation.1_lowered:
.L_overlay_start_0:
0x88: {  	s2 =	sld [smem:$0x3FD9]  }
0x89: {  	s3 =	sld [smem:$0x3FFE];
	_ =	sdelay $0x1  }
0x8a: {  	s1 =	srdreg.scid  }
0x8b: {  	s0 =	sand.u32 $0x1, s1  }
0x8c: {  	s17 =	sshll.u32 s0, $0xA;
	s2 =	sadd.s32 s3, s2  }
0x8d: {  	s2 =	sadd.s32 s2, s17  }
0x8e: {  	[smem:$0x3FC1] =	sst s2  }
0x8f: {  	_ = 	snop  }
0x90: {  	s2 =	sld [smem:$0x3FD0];
	(tm) =	ssettm $0x1  }
0x91: {  	s18 =	sld [smem:$0x3FFB];
	_ =	sdelay $0x3  }
0x92: {  	_ =	strace s18  }
0x93: {  	s3 =	sld [smem:$0x3FFC];
	_ =	sdelay $0x3  }
0x94: {  	_ =	strace s3  }
0x95: {  	s3 =	sld [smem:$0x3FFD];
	_ =	sdelay $0x3  }
0x96: {  	_ =	strace s3  }
0x97: {  	_ =	strace $0x8FFFFFFF  }
0x98: {  	s19 =	sld [smem:$0x3FDB];
	_ =	sdelay $0x1  }
0x99: {  	s4 =	simm.s32 $_scs_section_size  }
0x9a: {  	s5 =	simm.s32 $_size__tile_overlayer_lowered;
	s6 =	simm.s32 $_tile_overlayer_lowered  }
0x9b: {  	s22 =	simm.s32 $0x1BFF;
	s21 =	sshll.u32 s6, $0x1;
	s3 =	sadd.s32 s4, s19  }
0x9c: {  	s7 =	simm.s32 $0x0;
	s20 =	sshll.u32 s5, $0x1;
	s5 =	sadd.s32 s21, s3  }
0x9d: {  	[timem:s7], [sflag:s22] =	dma.local [hbm:s5], s20  }
0x9e: {  	_ =	swait.ge [sflag:s22], s20  }
0x9f: {  	s4 =	ssub.s32 $0x0, s20;
	[sflag:s22] =	ssyncset.done $0x0  }
0xa0: {  	[sflag:s22] =	ssyncadd.s32 s4;
	_ =	sdelay $0x1  }
0xa1: {  	s23 =	simm.s32 $0x1B8B  }
0xa2: {  	_ =	swait.ge [sflag:s23], $0x1  }
0xa3: {  	[sflag:s23] =	ssyncset.done $0x0  }
0xa4: {  	s25 =	simm.s32 $0x1B8E;
	s24 =	sld [smem:$0x3FFE];
	[sflag:s23] =	ssyncadd.s32 $0xFFFFFFFF  }
0xa5: {  	s26 =	simm.s32 $execute0_lowered;
	[smem:$0x3FD2] =	sst s25  }
0xa6: {  	s5 =	sshll.u32 s26, $0x1;
	_ =	strace $0x80000049;
	[dreg:$0x1] =	wrdreg $0xFFFFFFFF  }
0xa7: {  	s28 =	simm.s32 $_size_execute0_lowered;
	s3 =	sadd.s32 s3, s5;
	[dreg:$0x0] =	wrdreg $0x0  }
0xa8: {  	s5 =	sshll.u32 s28, $0x1;
	[dreg:$0x2] =	wrdreg s3  }
0xa9: {  	[dreg:$0x3] =	wrdreg s5  }
0xaa: {  	[dreg:$0x4] =	wrdreg $0xC0  }
0xab: {  	_ =	task [dreg:s7], $0x5FFFF  }
0xac: {  	[dreg:$0x1] =	wrdreg $0xFFFFFFFF  }
0xad: {  	[dreg:$0x0] =	wrdreg $0x60  }
0xae: {  	[dreg:$0x2] =	wrdreg s24  }
0xaf: {  	[dreg:$0x3] =	wrdreg s2  }
0xb0: {  	[dreg:$0x4] =	wrdreg $0x51800  }
0xb1: {  	[dreg:$0x5] =	wrdreg $0x191800  }
0xb2: {  	[dreg:$0x6] =	wrdreg $0x9  }
0xb3: {  	_ =	task.clear_ibuf [dreg:s7], $0x7FFFF;
	_ =	strace $0x90000049  }
0xb4: {  	s29 =	simm.s32 $0x9;
	_ =	strace $0x8000004B  }
0xb5: {  	_ =	swait.ge [sflag:s29], $0x1  }
0xb6: {  	[sflag:s29] =	ssyncadd.s32 $0xFFFFFFFF  }
0xb7: {  	_ =	strace $0x9000004B  }
0xb8: {  	_ =	sfence  }
0xb9: {  	s30 =	sld [smem:$0x0];
	_ =	sdelay $0x2  }
0xba: {  	s31 =	sshll.u32 s1, $0xD;
	s1 =	sshrl.u32 s1, $0x2  }
0xbb: {  	s3 =	sand.u32 $0x4000, s31;
	s1 =	sadd.s32 s1, s30  }
0xbc: {  	s0 =	sor.u32 s3, s0;
	s1 =	sshll.u32 s1, $0x11  }
0xbd: {  	s0 =	sor.u32 s1, s0  }
0xbe: {  	s0 =	sadd.s32 $0x8F2B, s0  }
0xbf: {  	[sflag:s0] =	ssyncadd.remote.s32 $0x1  }
0xc0: {  	_ =	sfence.sel $0xFFFF  }
0xc1: {  	[dreg:$0x0] =	wrdreg $0xFFFFFFFF;
	(pc) =	sbr.abs _section_cstart, $3  }
0xc2: {  	[dreg:$0x1] =	wrdreg $0xFFFFFFFF  }
0xc3: {  	_ =	task.clear_ibuf [dreg:s7], $0x2FFFF;
	_ =	strace $0x9FFFFFFF  }
0xc4: {  	(tm) =	ssettm $0x7FFFFFFF  }
0xc5: {  	_ =	shalt  }
tec
execute0_lowered:
.L_overlay_start_1:
0x0: {  	(tag) =	ssettag $0x1  }
0x1: {  	s6 =	rddreg [dreg:$0x0]  }
0x2: {  	s18 =	rddreg [dreg:$0x1]  }
0x3: {  	s2 =	rddreg [dreg:$0x2]  }
0x4: {  	s3 =	rddreg [dreg:$0x3]  }
0x5: {  	s0 =	srdreg.scid;
	s1 =	rddreg [dreg:$0x4];
	s4 =	simm.s32 $0x0  }
0x6: {  	s21 =	simm.s32 $0x2;
	s22 =	simm.s32 $0x80;
	s7 =	sand.u32 $0x1, s0  }
0x7: {  	s23 =	simm.s32 $0x50;
	s0 =	stileid.u32;
	s5 =	smul.u32 $0x27100, s7  }
0x8: {  	s24 =	simm.s32 $0x1;
	s25 =	simm.s32 $0x2900;
	s8 =	smul.u32 $0x2710, s0  }
0x9: {  	s26 =	simm.s32 $0x5100;
	[smem:$0x7FF] =	sst s4;
	s29 =	smul.u32 $0x140000, s7  }
0xa: {  	s28 =	simm.s32 $0x0;
	s9 =	smul.u32 $0x14000, s0;
	_ =	strace $0x8000004A  }
0xb: {  	s10 =	smul.u32 $0x2800, s7;
	s30 =	sshll.u32 s0, $0xA;
	s7 =	ssub.s32 $0x2, s7  }
0xc: {  	s12 =	smul.u32 $0x50000, s0;
	p0 =	sgt.u32 s0, $0x9;
	s11 =	sshrl.u32 s7, $0x1  }
0xd: {  	s5 =	sadd.s32 s8, s5;
	s8 =	sadd.s32 s9, s29;
	s10 =	sadd.s32 s30, s10  }
0xe: {  	s11 =	ssub.s32 s7, s11;
	s31 =	sshrl.u32 s12, $0x2;
	s19 =	sshrl.u32 s5, $0x3  }
0xf: {  	s5 =	sadd.s32 $0x1A00, s6;
	s8 =	sshrl.u32 s8, $0x3;
	s10 =	sshrl.u32 s10, $0x3  }
0x10: {  	s20 =	sadd.s32 s19, s6;
	s8 =	sadd.s32 s8, s6;
	s10 =	sadd.s32 s10, s6  }
0x11: {  	s6 =	sadd.s32 s30, s3;
	s18 =	sadd.s32 s19, s18;
	s7 =	sadd.s32 $0x5C400, s8  }
0x12: {  	s8 =	sadd.s32 s31, s2;
	s9 =	sadd.s32 $0x29A00, s10;
	s10 =	smax.u32 s11, $0x1  }
0x13: {  	v0 =	vlaneseq.u32;
	s19 =	sadd.s32 $0x52600, s20;
	s20 =	simm.s32 $0x100;
	s11 =	sadd.s32 $0x2800, s8  }
0x14: {  	v1 =	vimm.f32 $0.0e+00;
	v6 =	vimm.f32 $1.000000000e+00;
	v2 =	vor.u32 $0x10, v0;
	s12 =	sadd.s32 $0x5000, s8;
	s13 =	sadd.s32 $0x7800, s8;
	s14 =	sadd.s32 $0xA000, s8  }
0x15: {  	v3 =	vor.u32 $0x20, v0;
	v4 =	vor.u32 $0x30, v0;
	v5 =	vor.u32 $0x40, v0;
	s15 =	sadd.s32 $0xC800, s8;
	s16 =	sadd.s32 $0xF000, s8;
	s17 =	sadd.s32 $0x11800, s8  }
.LBB2_1:
0x16: {  	s29 =	simm.s32 $0x70;
	s30 =	simm.s32 $0x3C0  }
.LBB2_2:
0x17: {  	p1 =	sne.s32 s30, $0x9FC0;
	[tilespmem:s29+$0x100] =	vst v1  }
0x18: {  	[tilespmem:s29+$0x90] =	vst v1  }
0x19: {  	[tilespmem:s29+$0xA0] =	vst v1  }
.Ltmp0:
0x1a: {  	[tilespmem:s29+$0xB0] =	vst v1;
	(pc) =	sbr.rel @p1 .LBB2_2-.Ltmp0, $4  }
0x1b: {  	[tilespmem:s29+$0xC0] =	vst v1  }
0x1c: {  	[tilespmem:s29+$0xD0] =	vst v1  }
0x1d: {  	[tilespmem:s29+$0xE0] =	vst v1  }
0x1e: {  	[tilespmem:s29+$0xF0] =	vst v1;
	s29 =	sshra.s32 s30, $0x2;
	s30 =	sadd.s32 $0x200, s30  }
0x1f: {  	[tilespmem:s29+$0x100] =	vst v1  }
0x20: {  	[tilespmem:s29+$0x90] =	vst v1  }
0x21: {  	[tilespmem:s29+$0xA0] =	vst v1  }
0x22: {  	[tilespmem:s29+$0xB0] =	vst v1  }
0x23: {  	[tilespmem:s29+$0xC0] =	vst v1  }
0x24: {  	[tilespmem:s29+$0xD0] =	vst v1  }
0x25: {  	[tilespmem:s29+$0xE0] =	vst v1  }
0x26: {  	[tilespmem:s29+$0xF0] =	vst v1;
	s29 =	simm.s32 $0x70;
	s30 =	simm.s32 $0x3C0  }
.LBB2_4:
0x27: {  	p1 =	sne.s32 s30, $0x9FC0;
	[tilespmem:s29+$0x2900] =	vst v1  }
0x28: {  	[tilespmem:s29+$0x2890] =	vst v1  }
0x29: {  	[tilespmem:s29+$0x28A0] =	vst v1  }
.Ltmp1:
0x2a: {  	[tilespmem:s29+$0x28B0] =	vst v1;
	(pc) =	sbr.rel @p1 .LBB2_4-.Ltmp1, $4  }
0x2b: {  	[tilespmem:s29+$0x28C0] =	vst v1  }
0x2c: {  	[tilespmem:s29+$0x28D0] =	vst v1  }
0x2d: {  	[tilespmem:s29+$0x28E0] =	vst v1  }
0x2e: {  	[tilespmem:s29+$0x28F0] =	vst v1;
	s29 =	sshra.s32 s30, $0x2;
	s30 =	sadd.s32 $0x200, s30  }
0x2f: {  	[tilespmem:s29+$0x2900] =	vst v1  }
0x30: {  	[tilespmem:s29+$0x2890] =	vst v1  }
0x31: {  	[tilespmem:s29+$0x28A0] =	vst v1  }
0x32: {  	[tilespmem:s29+$0x28B0] =	vst v1  }
0x33: {  	[tilespmem:s29+$0x28C0] =	vst v1  }
0x34: {  	[tilespmem:s29+$0x28D0] =	vst v1  }
0x35: {  	[tilespmem:s29+$0x28E0] =	vst v1  }
0x36: {  	[tilespmem:s29+$0x28F0] =	vst v1  }
0x37: {  	[tilespmem:$0x5100] =	vst v0  }
0x38: {  	[tilespmem:$0x5110] =	vst v2  }
0x39: {  	[tilespmem:$0x5120] =	vst v3  }
0x3a: {  	[tilespmem:$0x5130] =	vst v4  }
0x3b: {  	[tilespmem:$0x5140] =	vst v5  }
0x3c: {  	[spmem:s8] =	stream.linear.scatter [tilespmem:s20], [sflag:$0x2], $0x2800, $0x38;
	[tilespmem:$0x19400] =	vst v63  }
0x3d: {  	_ =	swait.ge [sflag:s21], $0x2800  }
0x3e: {  	[sflag:s21] =	ssyncset.done $0x0  }
0x3f: {  	[sflag:s21] =	ssyncadd.s32 $0xFFFFD800  }
0x40: {  	[spmem:s11] =	stream.linear.scatter [tilespmem:s20], [sflag:$0x2], $0x2800, $0x38;
	[tilespmem:$0x19400] =	vst v63  }
0x41: {  	_ =	swait.ge [sflag:s21], $0x2800  }
0x42: {  	[sflag:s21] =	ssyncset.done $0x0  }
0x43: {  	[sflag:s21] =	ssyncadd.s32 $0xFFFFD800  }
0x44: {  	[spmem:s12] =	stream.linear.scatter [tilespmem:s20], [sflag:$0x2], $0x2800, $0x38;
	[tilespmem:$0x19400] =	vst v63  }
0x45: {  	_ =	swait.ge [sflag:s21], $0x2800  }
0x46: {  	[sflag:s21] =	ssyncset.done $0x0  }
0x47: {  	[sflag:s21] =	ssyncadd.s32 $0xFFFFD800  }
0x48: {  	[spmem:s13] =	stream.linear.scatter [tilespmem:s20], [sflag:$0x2], $0x2800, $0x38;
	[tilespmem:$0x19400] =	vst v63  }
0x49: {  	_ =	swait.ge [sflag:s21], $0x2800  }
0x4a: {  	[sflag:s21] =	ssyncset.done $0x0  }
0x4b: {  	[sflag:s21] =	ssyncadd.s32 $0xFFFFD800  }
0x4c: {  	[spmem:s14] =	stream.linear.scatter [tilespmem:s20], [sflag:$0x2], $0x2800, $0x38;
	[tilespmem:$0x19400] =	vst v63  }
0x4d: {  	_ =	swait.ge [sflag:s21], $0x2800  }
0x4e: {  	[sflag:s21] =	ssyncset.done $0x0  }
0x4f: {  	[sflag:s21] =	ssyncadd.s32 $0xFFFFD800  }
0x50: {  	[spmem:s15] =	stream.linear.scatter [tilespmem:s20], [sflag:$0x2], $0x2800, $0x38;
	[tilespmem:$0x19400] =	vst v63  }
0x51: {  	_ =	swait.ge [sflag:s21], $0x2800  }
0x52: {  	[sflag:s21] =	ssyncset.done $0x0  }
0x53: {  	[sflag:s21] =	ssyncadd.s32 $0xFFFFD800  }
0x54: {  	[spmem:s16] =	stream.linear.scatter [tilespmem:s20], [sflag:$0x2], $0x2800, $0x38;
	[tilespmem:$0x19400] =	vst v63  }
0x55: {  	_ =	swait.ge [sflag:s21], $0x2800  }
0x56: {  	[sflag:s21] =	ssyncset.done $0x0  }
0x57: {  	[sflag:s21] =	ssyncadd.s32 $0xFFFFD800  }
0x58: {  	[spmem:s17] =	stream.linear.scatter [tilespmem:s20], [sflag:$0x2], $0x2800, $0x38;
	[tilespmem:$0x19400] =	vst v63  }
0x59: {  	_ =	swait.ge [sflag:s21], $0x2800  }
0x5a: {  	[sflag:s21] =	ssyncset.done $0x0  }
0x5b: {  	s29 =	simm.s32 @!p0 $0x100;
	[sflag:s21] =	ssyncadd.s32 $0xFFFFD800  }
0x5c: {  	[spmem:s6] =	stream.linear.scatter @!p0 [tilespmem:s29], [sflag:$0x2], $0x400, $0x38;
	[tilespmem:$0x19400] =	vst v63  }
0x5d: {  	s29 =	simm.s32 @!p0 $0x2  }
0x5e: {  	_ =	swait.ge @!p0 [sflag:s29], $0x400  }
0x5f: {  	[sflag:s29] =	ssyncset.done @!p0 $0x0  }
0x60: {  	[sflag:s29] =	ssyncadd.s32 @!p0 $0xFFFFFC00  }
0x61: {  	s29 =	simm.s32 $0x0;
	[bflag:$0x0] =	sbarrier.arrive $0xFFFF  }
.LBB2_6:
0x62: {  	s30 =	sadd.s32 s29, s19  }
0x63: {  	[tilespmem:s4], [sflag:$0x2] =	stream.linear.gather [hbm4b:s30+s4], $0x50, $0x38;
	[tilespmem:$0x19400] =	vst v63  }
0x64: {  	_ =	swait.ge [sflag:s21], $0x50  }
0x65: {  	[sflag:s21] =	ssyncset.done $0x0  }
0x66: {  	s31 =	sadd.s32 s29, s18;
	[sflag:s21] =	ssyncadd.s32 $0xFFFFFFB0  }
0x67: {  	[tilespmem:s22], [sflag:$0x2] =	stream.linear.gather [hbm4b:s31+s4], $0x50, $0x38;
	[tilespmem:$0x19400] =	vst v63  }
0x68: {  	_ =	swait.ge [sflag:s21], $0x50  }
0x69: {  	[sflag:s21] =	ssyncset.done $0x0  }
0x6a: {  	[sflag:s21] =	ssyncadd.s32 $0xFFFFFFB0  }
0x6b: {  	[tilespmem:s20], [sflag:$0x1] =	stream.indirect.gather [hbm4b:s5+s23], $0x80, s4, s23, $0xb8;
	[tilespmem:$0x19400] =	vst v63  }
0x6c: {  	_ =	swait.ge [sflag:s24], $0x2800  }
0x6d: {  	[sflag:s24] =	ssyncset.done $0x0  }
0x6e: {  	[sflag:s24] =	ssyncadd.s32 $0xFFFFD800  }
0x6f: {  	[spmem:s2] =	stream.indirect.scatter.add.f32 [tilespmem:s20], [sflag:$0x2], $0x80, s22, s23, $0xb8;
	[tilespmem:$0x19400] =	vst v63  }
0x70: {  	_ =	swait.ge [sflag:s21], $0x2800  }
0x71: {  	[sflag:s21] =	ssyncset.done $0x0  }
0x72: {  	[sflag:s21] =	ssyncadd.s32 $0xFFFFD800  }
0x73: {  	v7 =	vld [tilespmem:$0x80];
	_ =	sdelay $0x7  }
0x74: {  	[tilespmem:v7+s25+$0x0] =	vst.idx.add.f32.msk $0xffff, v6  }
0x75: {  	v7 =	vld [tilespmem:$0x90];
	_ =	sdelay $0x7  }
0x76: {  	[tilespmem:v7+s25+$0x0] =	vst.idx.add.f32.msk $0xffff, v6  }
0x77: {  	v7 =	vld [tilespmem:$0xA0];
	_ =	sdelay $0x7  }
0x78: {  	[tilespmem:v7+s25+$0x0] =	vst.idx.add.f32.msk $0xffff, v6  }
0x79: {  	v7 =	vld [tilespmem:$0xB0];
	_ =	sdelay $0x7  }
0x7a: {  	[tilespmem:v7+s25+$0x0] =	vst.idx.add.f32.msk $0xffff, v6  }
0x7b: {  	v7 =	vld [tilespmem:$0xC0];
	_ =	sdelay $0x2  }
0x7c: {  	p1 =	sne.s32 s29, $0x4D8  }
.Ltmp2:
0x7d: {  	_ = 	snop;
	(pc) =	sbr.rel @p1 .LBB2_6-.Ltmp2, $2  }
0x7e: {  	_ =	sdelay $0x2  }
0x7f: {  	s29 =	sadd.s32 $0xA, s29;
	[tilespmem:v7+s25+$0x0] =	vst.idx.add.f32.msk $0xffff, v6  }
0x80: {  	[spmem:s3] =	stream.indirect.scatter.add.f32 [tilespmem:s25], [sflag:$0x2], $0x80, s26, s23, $0xb8;
	[tilespmem:$0x19400] =	vst v63  }
0x81: {  	_ =	swait.ge [sflag:s21], $0x2800  }
0x82: {  	[sflag:s21] =	ssyncset.done $0x0  }
0x83: {  	s29 =	sshll.u32 s0, $0x6;
	[sflag:s21] =	ssyncadd.s32 $0xFFFFD800  }
0x84: {  	s30 =	sshrl.u32 s8, $0x3;
	s29 =	sor.u32 $0x1C02, s29;
	[bflag:$0x0] =	sbarrier.arrive $0xFFFF  }
0x85: {  	[hbm:s7], [sflag:s29] =	dma.local [spmem:s30], $0x2800  }
0x86: {  	_ =	swait.ge [sflag:s21], $0x2800  }
0x87: {  	s28 =	sadd.s32 $0x1, s28;
	[sflag:s21] =	ssyncset.done $0x0  }
0x88: {  	p1 =	sne.s32 s28, s10;
	s30 =	sshrl.u32 @!p0 s6, $0x3;
	[sflag:s21] =	ssyncadd.s32 $0xFFFFD800  }
0x89: {  	[hbm:s9], [sflag:s29] =	dma.local @!p0 [spmem:s30], $0x80  }
.Ltmp3:
0x8a: {  	_ = 	snop;
	(pc) =	sbr.rel @p1 .LBB2_1-.Ltmp3, $4  }
0x8b: {  	s29 =	simm.s32 @!p0 $0x2  }
0x8c: {  	_ =	swait.ge @!p0 [sflag:s29], $0x80  }
0x8d: {  	[sflag:s29] =	ssyncset.done @!p0 $0x0  }
0x8e: {  	[sflag:s29] =	ssyncadd.s32 @!p0 $0xFFFFFF80  }
0x8f: {  	_ =	sfence.sel $0x180000  }
0x90: {  	[bflag:$0x0] =	sbarrier.arrive $0xFFFF  }
0x91: {  	p0 =	sne.s32 s0, $0x0;
	_ =	strace $0x9000004A  }
0x92: {  	s0 =	sadd.s32 @!p0 $0x100000, s1;
	[bflag:$0x2] =	sbarrier.arrive $0xFFFF  }
0x93: {  	[sflag:s0] =	ssyncadd.tile.s32 @!p0 $0x1;
	_ =	shalt  }
.Lfunc_end2:
_tile_overlayer_lowered:
.L_overlay_start_2:
0x94: {  	(tag) =	ssettag $0x2  }
0x95: {  	s0 =	rddreg [dreg:$0x0];
	s2 =	stileid.u32  }
0x96: {  	s1 =	rddreg [dreg:$0x1];
	p0 =	sne.s32 s2, $0x0  }
0x97: {  	s3 =	rddreg [dreg:$0x2];
	[bflag:$0x3] =	sbarrier.arrive $0xFFFF;
	s2 =	simm.s32 @!p0 $0x1C02  }
0x98: {  	[timem:s3], [sflag:s2] =	dma.local @!p0 [hbm:s0], s1  }
0x99: {  	s0 =	simm.s32 @!p0 $0x2  }
0x9a: {  	_ =	swait.ge @!p0 [sflag:s0], s1  }
0x9b: {  	s1 =	ssub.s32 @!p0 $0x0, s1;
	[sflag:s0] =	ssyncset.done @!p0 $0x0  }
0x9c: {  	[sflag:s0] =	ssyncadd.s32 @!p0 s1  }
0x9d: {  	[bflag:$0x3] =	sbarrier.arrive $0xFFFF  }
0x9e: {  	_ =	shalt  }

</sc_bundles>
